<compile_context>
chip_gen: v7x
topology: tpu7x:2x2x1
jax: 0.10.2.dev20260603
libtpu: 0.0.44.dev20260713+nightly
codegen_flags: <defaults>
</compile_context>

<pallas_src>
import functools

import jax
import jax.numpy as jnp
from jax import lax
from jax.experimental import pallas as pl
from jax.experimental.pallas import tpu as pltpu
from jax.experimental.pallas import tpu_sc as plsc

EMB = 64
SCALE = 8.0

NC = 2
NS = 16
NW = NC * NS
LANES = 16

B = 16384
L = 200
LPAD = 256
NB = 2
NSUB = 4
NBI = NB * NSUB
PER_W = B // NW
NBLK = PER_W // NBI


def _gather_scale(tok, table):
    mesh = plsc.VectorSubcoreMesh(core_axis_name="c", subcore_axis_name="s")

    @functools.partial(
        pl.kernel,
        mesh=mesh,
        out_type=jax.ShapeDtypeStruct((B, L, 128), jnp.float32),
        scratch_types=[
            pltpu.VMEM((3, NBI, LPAD), jnp.int32),
            pltpu.VMEM((NSUB, NB, L, EMB), jnp.float32),
            pltpu.SemaphoreType.DMA,
            pltpu.SemaphoreType.DMA,
            pltpu.SemaphoreType.DMA,
            pltpu.SemaphoreType.DMA,
            pltpu.SemaphoreType.DMA,
            pltpu.SemaphoreType.DMA,
            pltpu.SemaphoreType.DMA,
            pltpu.SemaphoreType.DMA,
            pltpu.SemaphoreType.DMA,
        ],
        compiler_params=pltpu.CompilerParams(use_tc_tiling_on_sc=False),
    )
    def k(tab_hbm, tok_hbm, out_hbm, idx_v, rows_v,
          si, sg0, sg1, sg2, sg3, ss0, ss1, ss2, ss3):
        sg = [sg0, sg1, sg2, sg3]
        ss = [ss0, ss1, ss2, ss3]
        wid = lax.axis_index("s") * NC + lax.axis_index("c")
        base = wid * PER_W

        def stream_pairs(slot, ro, buf):
            for r in range(NB):
                yield (tab_hbm.at[idx_v.at[slot, ro + r, pl.ds(0, 128)]],
                       rows_v.at[buf, r, pl.ds(0, 128)])
                yield (tab_hbm.at[idx_v.at[slot, ro + r, pl.ds(128, 72)]],
                       rows_v.at[buf, r, pl.ds(128, 72)])

        def fire(slot, ro, buf):
            for src, dst in stream_pairs(slot, ro, buf):
                pltpu.async_copy(src, dst, sg[buf])

        def drain(buf):
            for src, dst in stream_pairs(0, 0, buf):
                pltpu.make_async_copy(src, dst, sg[buf]).wait()

        def scale(buf):
            def sbody(l, c2):
                for r in range(NB):
                    for c in range(EMB // LANES):
                        sl = (buf, r, l, pl.ds(c * LANES, LANES))
                        rows_v[sl] = rows_v[sl] * SCALE
                return c2

            lax.fori_loop(0, L, sbody, 0, unroll=4)

        def store(buf, row0):
            pltpu.async_copy(
                rows_v.at[buf],
                out_hbm.at[pl.ds(row0, NB), :, pl.ds(0, EMB)],
                ss[buf],
            )

        def wait_store(buf):
            pltpu.make_async_copy(
                rows_v.at[buf],
                out_hbm.at[pl.ds(base, NB), :, pl.ds(0, EMB)],
                ss[buf],
            ).wait()

        def wait_idx():
            pltpu.make_async_copy(
                tok_hbm.at[pl.ds(base, NBI)], idx_v.at[0], si
            ).wait()

        pltpu.sync_copy(tok_hbm.at[pl.ds(base, NBI)], idx_v.at[0])
        pltpu.async_copy(tok_hbm.at[pl.ds(base + NBI, NBI)], idx_v.at[1], si)
        fire(0, 0, 0)
        fire(0, NB, 1)

        def gbody(g, carry):
            slot_g = lax.rem(g, 3)
            slot_g1 = lax.rem(g + 1, 3)

            @pl.when(g + 2 < NBLK)
            def _prefetch():
                pltpu.async_copy(
                    tok_hbm.at[pl.ds(base + (g + 2) * NBI, NBI)],
                    idx_v.at[lax.rem(g + 2, 3)],
                    si,
                )

            for j in range(NSUB):
                drain(j)
                tbuf = (j + 2) % NSUB
                if j < 2:
                    @pl.when(g >= 1)
                    def _ws():
                        wait_store(tbuf)

                    fire(slot_g, (j + 2) * NB, tbuf)
                else:
                    @pl.when(g < NBLK - 1)
                    def _fire_next():
                        if j == 2:
                            wait_idx()
                        wait_store(tbuf)
                        fire(slot_g1, (j - 2) * NB, tbuf)

                store(j, base + (NSUB * g + j) * NB)
            return carry

        lax.fori_loop(0, NBLK, gbody, 0)
        for t in range(NSUB):
            wait_store(t)

    return k(table, tok)


def kernel(token_tensor, embedding_table):
    tok = jnp.pad(token_tensor.astype(jnp.int32), ((0, 0), (0, LPAD - L)))
    out = _gather_scale(tok, embedding_table)
    return out[:, :, :EMB]

# --- scband reference (transcript-rebuilt; emitter-appended) ---
"""Pipeline reference for scband-token-embedding-36825049596514 (READ-ONLY COPY).

The authoritative reference and input builder live on the scoring server;
editing this copy changes nothing except your own understanding.
"""

import jax, jax.numpy as jnp
import numpy as np

VOCAB = 1000000
EMB = 64
B = 16384
L = 200

def setup_inputs(seed: int = 0) -> dict:
    key = jax.random.key(seed)
    k1, k2 = jax.random.split(key)
    token_tensor = jax.random.randint(k1, (B, L), 0, VOCAB, dtype=jnp.int64) if jax.config.jax_enable_x64 else jax.random.randint(k1, (B, L), 0, VOCAB, dtype=jnp.int32)
    embedding_table = jax.random.normal(k2, (VOCAB, EMB), dtype=jnp.float32)
    return {"token_tensor": token_tensor, "embedding_table": embedding_table}

def reference(token_tensor, embedding_table):
    # TokenEmbedding.forward: embedding(token_tensor.long()) * sqrt(emb_size)
    emb = jnp.take(embedding_table, token_tensor, axis=0)
    return emb * np.sqrt(EMB).astype(np.float32)

if __name__ == "__main__":
    import jax
    _d = setup_inputs()
    print(jax.jit(kernel)(*tuple(_d.values())))

</pallas_src>

<mosaic_0001>
#map = affine_map<(d0, d1) -> (0, 0)>
#map1 = affine_map<(d0, d1) -> (0, 0, 0)>
module attributes {stable_mosaic.version = 14 : i64} {
  func.func @k(%arg0: i32, %arg1: i32, %arg2: memref<1000000x64xf32, #tpu.memory_space<hbm>>, %arg3: memref<16384x256xi32, #tpu.memory_space<hbm>>, %arg4: memref<16384x200x128xf32, #tpu.memory_space<hbm>>, %arg5: memref<3x8x256xi32, #tpu.memory_space<vmem>>, %arg6: memref<4x2x200x64xf32, #tpu.memory_space<vmem>>, %arg7: memref<!tpu.dma_semaphore, #tpu.memory_space<semaphore_mem>>, %arg8: memref<!tpu.dma_semaphore, #tpu.memory_space<semaphore_mem>>, %arg9: memref<!tpu.dma_semaphore, #tpu.memory_space<semaphore_mem>>, %arg10: memref<!tpu.dma_semaphore, #tpu.memory_space<semaphore_mem>>, %arg11: memref<!tpu.dma_semaphore, #tpu.memory_space<semaphore_mem>>, %arg12: memref<!tpu.dma_semaphore, #tpu.memory_space<semaphore_mem>>, %arg13: memref<!tpu.dma_semaphore, #tpu.memory_space<semaphore_mem>>, %arg14: memref<!tpu.dma_semaphore, #tpu.memory_space<semaphore_mem>>, %arg15: memref<!tpu.dma_semaphore, #tpu.memory_space<semaphore_mem>>) attributes {dimension_semantics = [#tpu.dimension_semantics<core_parallel>, #tpu.dimension_semantics<subcore_parallel>], iteration_bounds = array<i64: 2, 16>, scalar_prefetch = 0 : i64, scratch_operands = 11 : i64, tpu.core_type = #tpu.core_type<sc_vector_subcore>, window_params = [{transform_indices = #map}, {transform_indices = #map}, {transform_indices = #map1}]} {
    %mul3A = arith.constant 2 : i32
    %mul3A_0 = arith.muli %arg1, %mul3A : i32
    %add3A = arith.addi %mul3A_0, %arg0 : i32
    %mul3A_1 = arith.constant 512 : i32
    %mul3A_2 = arith.muli %add3A, %mul3A_1 : i32
    %run_scoped3A = arith.constant 0 : i32
    "tpu.region"() ({
      %run_scoped3A_201 = tpu.sem_alloc : memref<!tpu.dma_semaphore, #tpu.memory_space<semaphore_mem>>
      %dma_start3A_202 = arith.constant 0 : i32
      %dma_start3A_203 = arith.constant 0 : i32
      %dma_start3A_204 = tpu.memref_slice %arg5[%run_scoped3A, %dma_start3A_202, %dma_start3A_203] : memref<3x8x256xi32, #tpu.memory_space<vmem>> -> memref<1x8x256xi32, #tpu.memory_space<vmem>>
      %dma_start3A_205 = tpu.memref_squeeze %dma_start3A_204 : memref<1x8x256xi32, #tpu.memory_space<vmem>> -> memref<8x256xi32, #tpu.memory_space<vmem>>
      %dma_start3A_206 = arith.constant 0 : i32
      %dma_start3A_207 = tpu.memref_slice %arg3[%mul3A_2, %dma_start3A_206] : memref<16384x256xi32, #tpu.memory_space<hbm>> -> memref<8x256xi32, #tpu.memory_space<hbm>>
      %dma_start3A_208 = arith.constant 0 : i32
      %dma_start3A_209 = arith.constant 0 : i32
      %dma_start3A_210 = tpu.memref_slice %arg5[%run_scoped3A, %dma_start3A_208, %dma_start3A_209] : memref<3x8x256xi32, #tpu.memory_space<vmem>> -> memref<1x8x256xi32, #tpu.memory_space<vmem>>
      %dma_start3A_211 = tpu.memref_squeeze %dma_start3A_210 : memref<1x8x256xi32, #tpu.memory_space<vmem>> -> memref<8x256xi32, #tpu.memory_space<vmem>>
      %dma_start3A_212 = arith.constant 0 : i32
      %dma_start3A_213 = tpu.memref_slice %arg3[%mul3A_2, %dma_start3A_212] : memref<16384x256xi32, #tpu.memory_space<hbm>> -> memref<8x256xi32, #tpu.memory_space<hbm>>
      tpu.enqueue_dma source(%dma_start3A_213 : memref<8x256xi32, #tpu.memory_space<hbm>>) target(%dma_start3A_211 : memref<8x256xi32, #tpu.memory_space<vmem>>) target_semaphore(%run_scoped3A_201 : memref<!tpu.dma_semaphore, #tpu.memory_space<semaphore_mem>>)
      %dma_wait3A_214 = arith.constant 0 : i32
      %dma_wait3A_215 = arith.constant 0 : i32
      %dma_wait3A_216 = tpu.memref_slice %arg5[%run_scoped3A, %dma_wait3A_214, %dma_wait3A_215] : memref<3x8x256xi32, #tpu.memory_space<vmem>> -> memref<1x8x256xi32, #tpu.memory_space<vmem>>
      %dma_wait3A_217 = tpu.memref_squeeze %dma_wait3A_216 : memref<1x8x256xi32, #tpu.memory_space<vmem>> -> memref<8x256xi32, #tpu.memory_space<vmem>>
      %dma_wait3A_218 = arith.constant 0 : i32
      %dma_wait3A_219 = tpu.memref_slice %arg3[%mul3A_2, %dma_wait3A_218] : memref<16384x256xi32, #tpu.memory_space<hbm>> -> memref<8x256xi32, #tpu.memory_space<hbm>>
      %dma_wait3A_220 = arith.constant 0 : i32
      %dma_wait3A_221 = arith.constant 0 : i32
      %dma_wait3A_222 = tpu.memref_slice %arg5[%run_scoped3A, %dma_wait3A_220, %dma_wait3A_221] : memref<3x8x256xi32, #tpu.memory_space<vmem>> -> memref<1x8x256xi32, #tpu.memory_space<vmem>>
      %dma_wait3A_223 = tpu.memref_squeeze %dma_wait3A_222 : memref<1x8x256xi32, #tpu.memory_space<vmem>> -> memref<8x256xi32, #tpu.memory_space<vmem>>
      %dma_wait3A_224 = arith.constant 0 : i32
      %dma_wait3A_225 = tpu.memref_slice %arg3[%mul3A_2, %dma_wait3A_224] : memref<16384x256xi32, #tpu.memory_space<hbm>> -> memref<8x256xi32, #tpu.memory_space<hbm>>
      tpu.wait_dma2 semaphore(%run_scoped3A_201 : memref<!tpu.dma_semaphore, #tpu.memory_space<semaphore_mem>>) src(%dma_wait3A_225 : memref<8x256xi32, #tpu.memory_space<hbm>>) dst(%dma_wait3A_223 : memref<8x256xi32, #tpu.memory_space<vmem>>)
      tpu.yield
    }) : () -> ()
    %add3A_3 = arith.constant 8 : i32
    %add3A_4 = arith.addi %mul3A_2, %add3A_3 : i32
    %dma_start3A = arith.constant 1 : i32
    %dma_start3A_5 = arith.constant 0 : i32
    %dma_start3A_6 = arith.constant 0 : i32
    %dma_start3A_7 = tpu.memref_slice %arg5[%dma_start3A, %dma_start3A_5, %dma_start3A_6] : memref<3x8x256xi32, #tpu.memory_space<vmem>> -> memref<1x8x256xi32, #tpu.memory_space<vmem>>
    %dma_start3A_8 = tpu.memref_squeeze %dma_start3A_7 : memref<1x8x256xi32, #tpu.memory_space<vmem>> -> memref<8x256xi32, #tpu.memory_space<vmem>>
    %dma_start3A_9 = arith.constant 0 : i32
    %dma_start3A_10 = tpu.memref_slice %arg3[%add3A_4, %dma_start3A_9] : memref<16384x256xi32, #tpu.memory_space<hbm>> -> memref<8x256xi32, #tpu.memory_space<hbm>>
    %dma_start3A_11 = arith.constant 0 : i32
    %dma_start3A_12 = arith.constant 0 : i32
    %dma_start3A_13 = tpu.memref_slice %arg5[%dma_start3A, %dma_start3A_11, %dma_start3A_12] : memref<3x8x256xi32, #tpu.memory_space<vmem>> -> memref<1x8x256xi32, #tpu.memory_space<vmem>>
    %dma_start3A_14 = tpu.memref_squeeze %dma_start3A_13 : memref<1x8x256xi32, #tpu.memory_space<vmem>> -> memref<8x256xi32, #tpu.memory_space<vmem>>
    %dma_start3A_15 = arith.constant 0 : i32
    %dma_start3A_16 = tpu.memref_slice %arg3[%add3A_4, %dma_start3A_15] : memref<16384x256xi32, #tpu.memory_space<hbm>> -> memref<8x256xi32, #tpu.memory_space<hbm>>
    tpu.enqueue_dma source(%dma_start3A_16 : memref<8x256xi32, #tpu.memory_space<hbm>>) target(%dma_start3A_14 : memref<8x256xi32, #tpu.memory_space<vmem>>) target_semaphore(%arg7 : memref<!tpu.dma_semaphore, #tpu.memory_space<semaphore_mem>>)
    %dma_start3A_17 = arith.constant 0 : i32
    %dma_start3A_18 = arith.constant 0 : i32
    %dma_start3A_19 = arith.constant 0 : i32
    %dma_start3A_20 = arith.constant 0 : i32
    %dma_start3A_21 = arith.constant 0 : i32
    %dma_start3A_22 = arith.constant 0 : i32
    %dma_start3A_23 = tpu.memref_slice %arg6[%dma_start3A_19, %dma_start3A_20, %dma_start3A_21, %dma_start3A_22] : memref<4x2x200x64xf32, #tpu.memory_space<vmem>> -> memref<1x1x128x64xf32, #tpu.memory_space<vmem>>
    %dma_start3A_24 = tpu.memref_squeeze %dma_start3A_23 : memref<1x1x128x64xf32, #tpu.memory_space<vmem>> -> memref<128x64xf32, #tpu.memory_space<vmem>>
    %dma_start3A_25 = arith.constant 0 : i32
    %dma_start3A_26 = tpu.memref_slice %arg5[%dma_start3A_17, %dma_start3A_18, %dma_start3A_25] : memref<3x8x256xi32, #tpu.memory_space<vmem>> -> memref<1x1x128xi32, #tpu.memory_space<vmem>>
    %dma_start3A_27 = tpu.memref_squeeze %dma_start3A_26 : memref<1x1x128xi32, #tpu.memory_space<vmem>> -> memref<128xi32, #tpu.memory_space<vmem>>
    %dma_start3A_28 = arith.constant 0 : i32
    %dma_start3A_29 = arith.constant 0 : i32
    %dma_start3A_30 = tpu.memref_slice %arg2[%dma_start3A_28, %dma_start3A_29] : memref<1000000x64xf32, #tpu.memory_space<hbm>> -> memref<1000000x64xf32, #tpu.memory_space<hbm>>
    tpu.enqueue_indirect_dma source(%dma_start3A_30 : memref<1000000x64xf32, #tpu.memory_space<hbm>>) target(%dma_start3A_24 : memref<128x64xf32, #tpu.memory_space<vmem>>) offsets(%dma_start3A_27 : memref<128xi32, #tpu.memory_space<vmem>>) semaphore(%arg8 : memref<!tpu.dma_semaphore, #tpu.memory_space<semaphore_mem>>)
    %dma_start3A_31 = arith.constant 0 : i32
    %dma_start3A_32 = arith.constant 0 : i32
    %dma_start3A_33 = arith.constant 0 : i32
    %dma_start3A_34 = arith.constant 0 : i32
    %dma_start3A_35 = arith.constant 128 : i32
    %dma_start3A_36 = arith.constant 0 : i32
    %dma_start3A_37 = tpu.memref_slice %arg6[%dma_start3A_33, %dma_start3A_34, %dma_start3A_35, %dma_start3A_36] : memref<4x2x200x64xf32, #tpu.memory_space<vmem>> -> memref<1x1x72x64xf32, #tpu.memory_space<vmem>>
    %dma_start3A_38 = tpu.memref_squeeze %dma_start3A_37 : memref<1x1x72x64xf32, #tpu.memory_space<vmem>> -> memref<72x64xf32, #tpu.memory_space<vmem>>
    %dma_start3A_39 = arith.constant 128 : i32
    %dma_start3A_40 = tpu.memref_slice %arg5[%dma_start3A_31, %dma_start3A_32, %dma_start3A_39] : memref<3x8x256xi32, #tpu.memory_space<vmem>> -> memref<1x1x72xi32, #tpu.memory_space<vmem>>
    %dma_start3A_41 = tpu.memref_squeeze %dma_start3A_40 : memref<1x1x72xi32, #tpu.memory_space<vmem>> -> memref<72xi32, #tpu.memory_space<vmem>>
    %dma_start3A_42 = arith.constant 0 : i32
    %dma_start3A_43 = arith.constant 0 : i32
    %dma_start3A_44 = tpu.memref_slice %arg2[%dma_start3A_42, %dma_start3A_43] : memref<1000000x64xf32, #tpu.memory_space<hbm>> -> memref<1000000x64xf32, #tpu.memory_space<hbm>>
    tpu.enqueue_indirect_dma source(%dma_start3A_44 : memref<1000000x64xf32, #tpu.memory_space<hbm>>) target(%dma_start3A_38 : memref<72x64xf32, #tpu.memory_space<vmem>>) offsets(%dma_start3A_41 : memref<72xi32, #tpu.memory_space<vmem>>) semaphore(%arg8 : memref<!tpu.dma_semaphore, #tpu.memory_space<semaphore_mem>>)
    %dma_start3A_45 = arith.constant 0 : i32
    %dma_start3A_46 = arith.constant 1 : i32
    %dma_start3A_47 = arith.constant 0 : i32
    %dma_start3A_48 = arith.constant 1 : i32
    %dma_start3A_49 = arith.constant 0 : i32
    %dma_start3A_50 = arith.constant 0 : i32
    %dma_start3A_51 = tpu.memref_slice %arg6[%dma_start3A_47, %dma_start3A_48, %dma_start3A_49, %dma_start3A_50] : memref<4x2x200x64xf32, #tpu.memory_space<vmem>> -> memref<1x1x128x64xf32, #tpu.memory_space<vmem>>
    %dma_start3A_52 = tpu.memref_squeeze %dma_start3A_51 : memref<1x1x128x64xf32, #tpu.memory_space<vmem>> -> memref<128x64xf32, #tpu.memory_space<vmem>>
    %dma_start3A_53 = arith.constant 0 : i32
    %dma_start3A_54 = tpu.memref_slice %arg5[%dma_start3A_45, %dma_start3A_46, %dma_start3A_53] : memref<3x8x256xi32, #tpu.memory_space<vmem>> -> memref<1x1x128xi32, #tpu.memory_space<vmem>>
    %dma_start3A_55 = tpu.memref_squeeze %dma_start3A_54 : memref<1x1x128xi32, #tpu.memory_space<vmem>> -> memref<128xi32, #tpu.memory_space<vmem>>
    %dma_start3A_56 = arith.constant 0 : i32
    %dma_start3A_57 = arith.constant 0 : i32
    %dma_start3A_58 = tpu.memref_slice %arg2[%dma_start3A_56, %dma_start3A_57] : memref<1000000x64xf32, #tpu.memory_space<hbm>> -> memref<1000000x64xf32, #tpu.memory_space<hbm>>
    tpu.enqueue_indirect_dma source(%dma_start3A_58 : memref<1000000x64xf32, #tpu.memory_space<hbm>>) target(%dma_start3A_52 : memref<128x64xf32, #tpu.memory_space<vmem>>) offsets(%dma_start3A_55 : memref<128xi32, #tpu.memory_space<vmem>>) semaphore(%arg8 : memref<!tpu.dma_semaphore, #tpu.memory_space<semaphore_mem>>)
    %dma_start3A_59 = arith.constant 0 : i32
    %dma_start3A_60 = arith.constant 1 : i32
    %dma_start3A_61 = arith.constant 0 : i32
    %dma_start3A_62 = arith.constant 1 : i32
    %dma_start3A_63 = arith.constant 128 : i32
    %dma_start3A_64 = arith.constant 0 : i32
    %dma_start3A_65 = tpu.memref_slice %arg6[%dma_start3A_61, %dma_start3A_62, %dma_start3A_63, %dma_start3A_64] : memref<4x2x200x64xf32, #tpu.memory_space<vmem>> -> memref<1x1x72x64xf32, #tpu.memory_space<vmem>>
    %dma_start3A_66 = tpu.memref_squeeze %dma_start3A_65 : memref<1x1x72x64xf32, #tpu.memory_space<vmem>> -> memref<72x64xf32, #tpu.memory_space<vmem>>
    %dma_start3A_67 = arith.constant 128 : i32
    %dma_start3A_68 = tpu.memref_slice %arg5[%dma_start3A_59, %dma_start3A_60, %dma_start3A_67] : memref<3x8x256xi32, #tpu.memory_space<vmem>> -> memref<1x1x72xi32, #tpu.memory_space<vmem>>
    %dma_start3A_69 = tpu.memref_squeeze %dma_start3A_68 : memref<1x1x72xi32, #tpu.memory_space<vmem>> -> memref<72xi32, #tpu.memory_space<vmem>>
    %dma_start3A_70 = arith.constant 0 : i32
    %dma_start3A_71 = arith.constant 0 : i32
    %dma_start3A_72 = tpu.memref_slice %arg2[%dma_start3A_70, %dma_start3A_71] : memref<1000000x64xf32, #tpu.memory_space<hbm>> -> memref<1000000x64xf32, #tpu.memory_space<hbm>>
    tpu.enqueue_indirect_dma source(%dma_start3A_72 : memref<1000000x64xf32, #tpu.memory_space<hbm>>) target(%dma_start3A_66 : memref<72x64xf32, #tpu.memory_space<vmem>>) offsets(%dma_start3A_69 : memref<72xi32, #tpu.memory_space<vmem>>) semaphore(%arg8 : memref<!tpu.dma_semaphore, #tpu.memory_space<semaphore_mem>>)
    %dma_start3A_73 = arith.constant 0 : i32
    %dma_start3A_74 = arith.constant 2 : i32
    %dma_start3A_75 = arith.constant 1 : i32
    %dma_start3A_76 = arith.constant 0 : i32
    %dma_start3A_77 = arith.constant 0 : i32
    %dma_start3A_78 = arith.constant 0 : i32
    %dma_start3A_79 = tpu.memref_slice %arg6[%dma_start3A_75, %dma_start3A_76, %dma_start3A_77, %dma_start3A_78] : memref<4x2x200x64xf32, #tpu.memory_space<vmem>> -> memref<1x1x128x64xf32, #tpu.memory_space<vmem>>
    %dma_start3A_80 = tpu.memref_squeeze %dma_start3A_79 : memref<1x1x128x64xf32, #tpu.memory_space<vmem>> -> memref<128x64xf32, #tpu.memory_space<vmem>>
    %dma_start3A_81 = arith.constant 0 : i32
    %dma_start3A_82 = tpu.memref_slice %arg5[%dma_start3A_73, %dma_start3A_74, %dma_start3A_81] : memref<3x8x256xi32, #tpu.memory_space<vmem>> -> memref<1x1x128xi32, #tpu.memory_space<vmem>>
    %dma_start3A_83 = tpu.memref_squeeze %dma_start3A_82 : memref<1x1x128xi32, #tpu.memory_space<vmem>> -> memref<128xi32, #tpu.memory_space<vmem>>
    %dma_start3A_84 = arith.constant 0 : i32
    %dma_start3A_85 = arith.constant 0 : i32
    %dma_start3A_86 = tpu.memref_slice %arg2[%dma_start3A_84, %dma_start3A_85] : memref<1000000x64xf32, #tpu.memory_space<hbm>> -> memref<1000000x64xf32, #tpu.memory_space<hbm>>
    tpu.enqueue_indirect_dma source(%dma_start3A_86 : memref<1000000x64xf32, #tpu.memory_space<hbm>>) target(%dma_start3A_80 : memref<128x64xf32, #tpu.memory_space<vmem>>) offsets(%dma_start3A_83 : memref<128xi32, #tpu.memory_space<vmem>>) semaphore(%arg9 : memref<!tpu.dma_semaphore, #tpu.memory_space<semaphore_mem>>)
    %dma_start3A_87 = arith.constant 0 : i32
    %dma_start3A_88 = arith.constant 2 : i32
    %dma_start3A_89 = arith.constant 1 : i32
    %dma_start3A_90 = arith.constant 0 : i32
    %dma_start3A_91 = arith.constant 128 : i32
    %dma_start3A_92 = arith.constant 0 : i32
    %dma_start3A_93 = tpu.memref_slice %arg6[%dma_start3A_89, %dma_start3A_90, %dma_start3A_91, %dma_start3A_92] : memref<4x2x200x64xf32, #tpu.memory_space<vmem>> -> memref<1x1x72x64xf32, #tpu.memory_space<vmem>>
    %dma_start3A_94 = tpu.memref_squeeze %dma_start3A_93 : memref<1x1x72x64xf32, #tpu.memory_space<vmem>> -> memref<72x64xf32, #tpu.memory_space<vmem>>
    %dma_start3A_95 = arith.constant 128 : i32
    %dma_start3A_96 = tpu.memref_slice %arg5[%dma_start3A_87, %dma_start3A_88, %dma_start3A_95] : memref<3x8x256xi32, #tpu.memory_space<vmem>> -> memref<1x1x72xi32, #tpu.memory_space<vmem>>
    %dma_start3A_97 = tpu.memref_squeeze %dma_start3A_96 : memref<1x1x72xi32, #tpu.memory_space<vmem>> -> memref<72xi32, #tpu.memory_space<vmem>>
    %dma_start3A_98 = arith.constant 0 : i32
    %dma_start3A_99 = arith.constant 0 : i32
    %dma_start3A_100 = tpu.memref_slice %arg2[%dma_start3A_98, %dma_start3A_99] : memref<1000000x64xf32, #tpu.memory_space<hbm>> -> memref<1000000x64xf32, #tpu.memory_space<hbm>>
    tpu.enqueue_indirect_dma source(%dma_start3A_100 : memref<1000000x64xf32, #tpu.memory_space<hbm>>) target(%dma_start3A_94 : memref<72x64xf32, #tpu.memory_space<vmem>>) offsets(%dma_start3A_97 : memref<72xi32, #tpu.memory_space<vmem>>) semaphore(%arg9 : memref<!tpu.dma_semaphore, #tpu.memory_space<semaphore_mem>>)
    %dma_start3A_101 = arith.constant 0 : i32
    %dma_start3A_102 = arith.constant 3 : i32
    %dma_start3A_103 = arith.constant 1 : i32
    %dma_start3A_104 = arith.constant 1 : i32
    %dma_start3A_105 = arith.constant 0 : i32
    %dma_start3A_106 = arith.constant 0 : i32
    %dma_start3A_107 = tpu.memref_slice %arg6[%dma_start3A_103, %dma_start3A_104, %dma_start3A_105, %dma_start3A_106] : memref<4x2x200x64xf32, #tpu.memory_space<vmem>> -> memref<1x1x128x64xf32, #tpu.memory_space<vmem>>
    %dma_start3A_108 = tpu.memref_squeeze %dma_start3A_107 : memref<1x1x128x64xf32, #tpu.memory_space<vmem>> -> memref<128x64xf32, #tpu.memory_space<vmem>>
    %dma_start3A_109 = arith.constant 0 : i32
    %dma_start3A_110 = tpu.memref_slice %arg5[%dma_start3A_101, %dma_start3A_102, %dma_start3A_109] : memref<3x8x256xi32, #tpu.memory_space<vmem>> -> memref<1x1x128xi32, #tpu.memory_space<vmem>>
    %dma_start3A_111 = tpu.memref_squeeze %dma_start3A_110 : memref<1x1x128xi32, #tpu.memory_space<vmem>> -> memref<128xi32, #tpu.memory_space<vmem>>
    %dma_start3A_112 = arith.constant 0 : i32
    %dma_start3A_113 = arith.constant 0 : i32
    %dma_start3A_114 = tpu.memref_slice %arg2[%dma_start3A_112, %dma_start3A_113] : memref<1000000x64xf32, #tpu.memory_space<hbm>> -> memref<1000000x64xf32, #tpu.memory_space<hbm>>
    tpu.enqueue_indirect_dma source(%dma_start3A_114 : memref<1000000x64xf32, #tpu.memory_space<hbm>>) target(%dma_start3A_108 : memref<128x64xf32, #tpu.memory_space<vmem>>) offsets(%dma_start3A_111 : memref<128xi32, #tpu.memory_space<vmem>>) semaphore(%arg9 : memref<!tpu.dma_semaphore, #tpu.memory_space<semaphore_mem>>)
    %dma_start3A_115 = arith.constant 0 : i32
    %dma_start3A_116 = arith.constant 3 : i32
    %dma_start3A_117 = arith.constant 1 : i32
    %dma_start3A_118 = arith.constant 1 : i32
    %dma_start3A_119 = arith.constant 128 : i32
    %dma_start3A_120 = arith.constant 0 : i32
    %dma_start3A_121 = tpu.memref_slice %arg6[%dma_start3A_117, %dma_start3A_118, %dma_start3A_119, %dma_start3A_120] : memref<4x2x200x64xf32, #tpu.memory_space<vmem>> -> memref<1x1x72x64xf32, #tpu.memory_space<vmem>>
    %dma_start3A_122 = tpu.memref_squeeze %dma_start3A_121 : memref<1x1x72x64xf32, #tpu.memory_space<vmem>> -> memref<72x64xf32, #tpu.memory_space<vmem>>
    %dma_start3A_123 = arith.constant 128 : i32
    %dma_start3A_124 = tpu.memref_slice %arg5[%dma_start3A_115, %dma_start3A_116, %dma_start3A_123] : memref<3x8x256xi32, #tpu.memory_space<vmem>> -> memref<1x1x72xi32, #tpu.memory_space<vmem>>
    %dma_start3A_125 = tpu.memref_squeeze %dma_start3A_124 : memref<1x1x72xi32, #tpu.memory_space<vmem>> -> memref<72xi32, #tpu.memory_space<vmem>>
    %dma_start3A_126 = arith.constant 0 : i32
    %dma_start3A_127 = arith.constant 0 : i32
    %dma_start3A_128 = tpu.memref_slice %arg2[%dma_start3A_126, %dma_start3A_127] : memref<1000000x64xf32, #tpu.memory_space<hbm>> -> memref<1000000x64xf32, #tpu.memory_space<hbm>>
    tpu.enqueue_indirect_dma source(%dma_start3A_128 : memref<1000000x64xf32, #tpu.memory_space<hbm>>) target(%dma_start3A_122 : memref<72x64xf32, #tpu.memory_space<vmem>>) offsets(%dma_start3A_125 : memref<72xi32, #tpu.memory_space<vmem>>) semaphore(%arg9 : memref<!tpu.dma_semaphore, #tpu.memory_space<semaphore_mem>>)
    %scan3A = arith.constant 0 : i32
    %scan3A_129 = arith.constant 0 : i32
    %scan3A_130 = arith.constant 64 : i32
    %scan3A_131 = arith.addi %scan3A_129, %scan3A_130 : i32
    %scan3A_132 = arith.constant 1 : i32
    scf.for %scan3A_201 = %scan3A_129 to %scan3A_131 step %scan3A_132  : i32 {
      %rem3A = arith.constant 3 : i32
      %rem3A_202 = arith.remsi %scan3A_201, %rem3A : i32
      %add3A_203 = arith.constant 1 : i32
      %add3A_204 = arith.addi %scan3A_201, %add3A_203 : i32
      %rem3A_205 = arith.constant 3 : i32
      %rem3A_206 = arith.remsi %add3A_204, %rem3A_205 : i32
      %add3A_207 = arith.constant 2 : i32
      %add3A_208 = arith.addi %scan3A_201, %add3A_207 : i32
      %lt3A = arith.constant 64 : i32
      %lt3A_209 = arith.cmpi slt, %add3A_208, %lt3A : i32
      %convert_element_type3A = arith.extui %lt3A_209 : i1 to i32
      %cond3A = arith.constant 0 : i32
      %cond3A_210 = arith.cmpi ne, %convert_element_type3A, %cond3A : i32
      scf.if %cond3A_210 {
        %add3A_654 = arith.constant 2 : i32
        %add3A_655 = arith.addi %scan3A_201, %add3A_654 : i32
        %mul3A_656 = arith.constant 8 : i32
        %mul3A_657 = arith.muli %add3A_655, %mul3A_656 : i32
        %add3A_658 = arith.addi %mul3A_2, %mul3A_657 : i32
        %add3A_659 = arith.constant 2 : i32
        %add3A_660 = arith.addi %scan3A_201, %add3A_659 : i32
        %rem3A_661 = arith.constant 3 : i32
        %rem3A_662 = arith.remsi %add3A_660, %rem3A_661 : i32
        %dma_start3A_663 = arith.constant 0 : i32
        %dma_start3A_664 = arith.constant 0 : i32
        %dma_start3A_665 = tpu.memref_slice %arg5[%rem3A_662, %dma_start3A_663, %dma_start3A_664] : memref<3x8x256xi32, #tpu.memory_space<vmem>> -> memref<1x8x256xi32, #tpu.memory_space<vmem>>
        %dma_start3A_666 = tpu.memref_squeeze %dma_start3A_665 : memref<1x8x256xi32, #tpu.memory_space<vmem>> -> memref<8x256xi32, #tpu.memory_space<vmem>>
        %dma_start3A_667 = arith.constant 0 : i32
        %dma_start3A_668 = tpu.memref_slice %arg3[%add3A_658, %dma_start3A_667] : memref<16384x256xi32, #tpu.memory_space<hbm>> -> memref<8x256xi32, #tpu.memory_space<hbm>>
        %dma_start3A_669 = arith.constant 0 : i32
        %dma_start3A_670 = arith.constant 0 : i32
        %dma_start3A_671 = tpu.memref_slice %arg5[%rem3A_662, %dma_start3A_669, %dma_start3A_670] : memref<3x8x256xi32, #tpu.memory_space<vmem>> -> memref<1x8x256xi32, #tpu.memory_space<vmem>>
        %dma_start3A_672 = tpu.memref_squeeze %dma_start3A_671 : memref<1x8x256xi32, #tpu.memory_space<vmem>> -> memref<8x256xi32, #tpu.memory_space<vmem>>
        %dma_start3A_673 = arith.constant 0 : i32
        %dma_start3A_674 = tpu.memref_slice %arg3[%add3A_658, %dma_start3A_673] : memref<16384x256xi32, #tpu.memory_space<hbm>> -> memref<8x256xi32, #tpu.memory_space<hbm>>
        tpu.enqueue_dma source(%dma_start3A_674 : memref<8x256xi32, #tpu.memory_space<hbm>>) target(%dma_start3A_672 : memref<8x256xi32, #tpu.memory_space<vmem>>) target_semaphore(%arg7 : memref<!tpu.dma_semaphore, #tpu.memory_space<semaphore_mem>>)
      } else {
      }
      %dma_wait3A_211 = arith.constant 0 : i32
      %dma_wait3A_212 = arith.constant 0 : i32
      %dma_wait3A_213 = arith.constant 0 : i32
      %dma_wait3A_214 = arith.constant 0 : i32
      %dma_wait3A_215 = arith.constant 0 : i32
      %dma_wait3A_216 = arith.constant 0 : i32
      %dma_wait3A_217 = tpu.memref_slice %arg6[%dma_wait3A_213, %dma_wait3A_214, %dma_wait3A_215, %dma_wait3A_216] : memref<4x2x200x64xf32, #tpu.memory_space<vmem>> -> memref<1x1x128x64xf32, #tpu.memory_space<vmem>>
      %dma_wait3A_218 = tpu.memref_squeeze %dma_wait3A_217 : memref<1x1x128x64xf32, #tpu.memory_space<vmem>> -> memref<128x64xf32, #tpu.memory_space<vmem>>
      %dma_wait3A_219 = arith.constant 0 : i32
      %dma_wait3A_220 = tpu.memref_slice %arg5[%dma_wait3A_211, %dma_wait3A_212, %dma_wait3A_219] : memref<3x8x256xi32, #tpu.memory_space<vmem>> -> memref<1x1x128xi32, #tpu.memory_space<vmem>>
      %dma_wait3A_221 = tpu.memref_squeeze %dma_wait3A_220 : memref<1x1x128xi32, #tpu.memory_space<vmem>> -> memref<128xi32, #tpu.memory_space<vmem>>
      %dma_wait3A_222 = arith.constant 0 : i32
      %dma_wait3A_223 = arith.constant 0 : i32
      %dma_wait3A_224 = tpu.memref_slice %arg2[%dma_wait3A_222, %dma_wait3A_223] : memref<1000000x64xf32, #tpu.memory_space<hbm>> -> memref<1000000x64xf32, #tpu.memory_space<hbm>>
      tpu.wait_indirect_dma semaphore(%arg8 : memref<!tpu.dma_semaphore, #tpu.memory_space<semaphore_mem>>) src(%dma_wait3A_224 : memref<1000000x64xf32, #tpu.memory_space<hbm>>) dst(%dma_wait3A_218 : memref<128x64xf32, #tpu.memory_space<vmem>>)
      %dma_wait3A_225 = arith.constant 0 : i32
      %dma_wait3A_226 = arith.constant 0 : i32
      %dma_wait3A_227 = arith.constant 0 : i32
      %dma_wait3A_228 = arith.constant 0 : i32
      %dma_wait3A_229 = arith.constant 128 : i32
      %dma_wait3A_230 = arith.constant 0 : i32
      %dma_wait3A_231 = tpu.memref_slice %arg6[%dma_wait3A_227, %dma_wait3A_228, %dma_wait3A_229, %dma_wait3A_230] : memref<4x2x200x64xf32, #tpu.memory_space<vmem>> -> memref<1x1x72x64xf32, #tpu.memory_space<vmem>>
      %dma_wait3A_232 = tpu.memref_squeeze %dma_wait3A_231 : memref<1x1x72x64xf32, #tpu.memory_space<vmem>> -> memref<72x64xf32, #tpu.memory_space<vmem>>
      %dma_wait3A_233 = arith.constant 128 : i32
      %dma_wait3A_234 = tpu.memref_slice %arg5[%dma_wait3A_225, %dma_wait3A_226, %dma_wait3A_233] : memref<3x8x256xi32, #tpu.memory_space<vmem>> -> memref<1x1x72xi32, #tpu.memory_space<vmem>>
      %dma_wait3A_235 = tpu.memref_squeeze %dma_wait3A_234 : memref<1x1x72xi32, #tpu.memory_space<vmem>> -> memref<72xi32, #tpu.memory_space<vmem>>
      %dma_wait3A_236 = arith.constant 0 : i32
      %dma_wait3A_237 = arith.constant 0 : i32
      %dma_wait3A_238 = tpu.memref_slice %arg2[%dma_wait3A_236, %dma_wait3A_237] : memref<1000000x64xf32, #tpu.memory_space<hbm>> -> memref<1000000x64xf32, #tpu.memory_space<hbm>>
      tpu.wait_indirect_dma semaphore(%arg8 : memref<!tpu.dma_semaphore, #tpu.memory_space<semaphore_mem>>) src(%dma_wait3A_238 : memref<1000000x64xf32, #tpu.memory_space<hbm>>) dst(%dma_wait3A_232 : memref<72x64xf32, #tpu.memory_space<vmem>>)
      %dma_wait3A_239 = arith.constant 0 : i32
      %dma_wait3A_240 = arith.constant 1 : i32
      %dma_wait3A_241 = arith.constant 0 : i32
      %dma_wait3A_242 = arith.constant 1 : i32
      %dma_wait3A_243 = arith.constant 0 : i32
      %dma_wait3A_244 = arith.constant 0 : i32
      %dma_wait3A_245 = tpu.memref_slice %arg6[%dma_wait3A_241, %dma_wait3A_242, %dma_wait3A_243, %dma_wait3A_244] : memref<4x2x200x64xf32, #tpu.memory_space<vmem>> -> memref<1x1x128x64xf32, #tpu.memory_space<vmem>>
      %dma_wait3A_246 = tpu.memref_squeeze %dma_wait3A_245 : memref<1x1x128x64xf32, #tpu.memory_space<vmem>> -> memref<128x64xf32, #tpu.memory_space<vmem>>
      %dma_wait3A_247 = arith.constant 0 : i32
      %dma_wait3A_248 = tpu.memref_slice %arg5[%dma_wait3A_239, %dma_wait3A_240, %dma_wait3A_247] : memref<3x8x256xi32, #tpu.memory_space<vmem>> -> memref<1x1x128xi32, #tpu.memory_space<vmem>>
      %dma_wait3A_249 = tpu.memref_squeeze %dma_wait3A_248 : memref<1x1x128xi32, #tpu.memory_space<vmem>> -> memref<128xi32, #tpu.memory_space<vmem>>
      %dma_wait3A_250 = arith.constant 0 : i32
      %dma_wait3A_251 = arith.constant 0 : i32
      %dma_wait3A_252 = tpu.memref_slice %arg2[%dma_wait3A_250, %dma_wait3A_251] : memref<1000000x64xf32, #tpu.memory_space<hbm>> -> memref<1000000x64xf32, #tpu.memory_space<hbm>>
      tpu.wait_indirect_dma semaphore(%arg8 : memref<!tpu.dma_semaphore, #tpu.memory_space<semaphore_mem>>) src(%dma_wait3A_252 : memref<1000000x64xf32, #tpu.memory_space<hbm>>) dst(%dma_wait3A_246 : memref<128x64xf32, #tpu.memory_space<vmem>>)
      %dma_wait3A_253 = arith.constant 0 : i32
      %dma_wait3A_254 = arith.constant 1 : i32
      %dma_wait3A_255 = arith.constant 0 : i32
      %dma_wait3A_256 = arith.constant 1 : i32
      %dma_wait3A_257 = arith.constant 128 : i32
      %dma_wait3A_258 = arith.constant 0 : i32
      %dma_wait3A_259 = tpu.memref_slice %arg6[%dma_wait3A_255, %dma_wait3A_256, %dma_wait3A_257, %dma_wait3A_258] : memref<4x2x200x64xf32, #tpu.memory_space<vmem>> -> memref<1x1x72x64xf32, #tpu.memory_space<vmem>>
      %dma_wait3A_260 = tpu.memref_squeeze %dma_wait3A_259 : memref<1x1x72x64xf32, #tpu.memory_space<vmem>> -> memref<72x64xf32, #tpu.memory_space<vmem>>
      %dma_wait3A_261 = arith.constant 128 : i32
      %dma_wait3A_262 = tpu.memref_slice %arg5[%dma_wait3A_253, %dma_wait3A_254, %dma_wait3A_261] : memref<3x8x256xi32, #tpu.memory_space<vmem>> -> memref<1x1x72xi32, #tpu.memory_space<vmem>>
      %dma_wait3A_263 = tpu.memref_squeeze %dma_wait3A_262 : memref<1x1x72xi32, #tpu.memory_space<vmem>> -> memref<72xi32, #tpu.memory_space<vmem>>
      %dma_wait3A_264 = arith.constant 0 : i32
      %dma_wait3A_265 = arith.constant 0 : i32
      %dma_wait3A_266 = tpu.memref_slice %arg2[%dma_wait3A_264, %dma_wait3A_265] : memref<1000000x64xf32, #tpu.memory_space<hbm>> -> memref<1000000x64xf32, #tpu.memory_space<hbm>>
      tpu.wait_indirect_dma semaphore(%arg8 : memref<!tpu.dma_semaphore, #tpu.memory_space<semaphore_mem>>) src(%dma_wait3A_266 : memref<1000000x64xf32, #tpu.memory_space<hbm>>) dst(%dma_wait3A_260 : memref<72x64xf32, #tpu.memory_space<vmem>>)
      %ge3A = arith.constant 1 : i32
      %ge3A_267 = arith.cmpi sge, %scan3A_201, %ge3A : i32
      %convert_element_type3A_268 = arith.extui %ge3A_267 : i1 to i32
      %cond3A_269 = arith.constant 0 : i32
      %cond3A_270 = arith.cmpi ne, %convert_element_type3A_268, %cond3A_269 : i32
      scf.if %cond3A_270 {
        %dma_wait3A_654 = arith.constant 2 : i32
        %dma_wait3A_655 = arith.constant 0 : i32
        %dma_wait3A_656 = arith.constant 0 : i32
        %dma_wait3A_657 = arith.constant 0 : i32
        %dma_wait3A_658 = tpu.memref_slice %arg6[%dma_wait3A_654, %dma_wait3A_655, %dma_wait3A_656, %dma_wait3A_657] : memref<4x2x200x64xf32, #tpu.memory_space<vmem>> -> memref<1x2x200x64xf32, #tpu.memory_space<vmem>>
        %dma_wait3A_659 = tpu.memref_squeeze %dma_wait3A_658 : memref<1x2x200x64xf32, #tpu.memory_space<vmem>> -> memref<2x200x64xf32, #tpu.memory_space<vmem>>
        %dma_wait3A_660 = arith.constant 0 : i32
        %dma_wait3A_661 = arith.constant 0 : i32
        %dma_wait3A_662 = tpu.memref_slice %arg4[%mul3A_2, %dma_wait3A_660, %dma_wait3A_661] : memref<16384x200x128xf32, #tpu.memory_space<hbm>> -> memref<2x200x64xf32, #tpu.memory_space<hbm>>
        %dma_wait3A_663 = arith.constant 0 : i32
        %dma_wait3A_664 = arith.constant 0 : i32
        %dma_wait3A_665 = tpu.memref_slice %arg4[%mul3A_2, %dma_wait3A_663, %dma_wait3A_664] : memref<16384x200x128xf32, #tpu.memory_space<hbm>> -> memref<2x200x64xf32, #tpu.memory_space<hbm>>
        %dma_wait3A_666 = arith.constant 0 : i32
        %dma_wait3A_667 = arith.constant 0 : i32
        %dma_wait3A_668 = arith.constant 0 : i32
        %dma_wait3A_669 = tpu.memref_slice %arg6[%dma_wait3A_654, %dma_wait3A_666, %dma_wait3A_667, %dma_wait3A_668] : memref<4x2x200x64xf32, #tpu.memory_space<vmem>> -> memref<1x2x200x64xf32, #tpu.memory_space<vmem>>
        %dma_wait3A_670 = tpu.memref_squeeze %dma_wait3A_669 : memref<1x2x200x64xf32, #tpu.memory_space<vmem>> -> memref<2x200x64xf32, #tpu.memory_space<vmem>>
        tpu.wait_dma2 semaphore(%arg14 : memref<!tpu.dma_semaphore, #tpu.memory_space<semaphore_mem>>) src(%dma_wait3A_670 : memref<2x200x64xf32, #tpu.memory_space<vmem>>) dst(%dma_wait3A_665 : memref<2x200x64xf32, #tpu.memory_space<hbm>>)
      } else {
      }
      %dma_start3A_271 = arith.constant 4 : i32
      %dma_start3A_272 = arith.constant 2 : i32
      %dma_start3A_273 = arith.constant 0 : i32
      %dma_start3A_274 = arith.constant 0 : i32
      %dma_start3A_275 = arith.constant 0 : i32
      %dma_start3A_276 = tpu.memref_slice %arg6[%dma_start3A_272, %dma_start3A_273, %dma_start3A_274, %dma_start3A_275] : memref<4x2x200x64xf32, #tpu.memory_space<vmem>> -> memref<1x1x128x64xf32, #tpu.memory_space<vmem>>
      %dma_start3A_277 = tpu.memref_squeeze %dma_start3A_276 : memref<1x1x128x64xf32, #tpu.memory_space<vmem>> -> memref<128x64xf32, #tpu.memory_space<vmem>>
      %dma_start3A_278 = arith.constant 0 : i32
      %dma_start3A_279 = tpu.memref_slice %arg5[%rem3A_202, %dma_start3A_271, %dma_start3A_278] : memref<3x8x256xi32, #tpu.memory_space<vmem>> -> memref<1x1x128xi32, #tpu.memory_space<vmem>>
      %dma_start3A_280 = tpu.memref_squeeze %dma_start3A_279 : memref<1x1x128xi32, #tpu.memory_space<vmem>> -> memref<128xi32, #tpu.memory_space<vmem>>
      %dma_start3A_281 = arith.constant 0 : i32
      %dma_start3A_282 = arith.constant 0 : i32
      %dma_start3A_283 = tpu.memref_slice %arg2[%dma_start3A_281, %dma_start3A_282] : memref<1000000x64xf32, #tpu.memory_space<hbm>> -> memref<1000000x64xf32, #tpu.memory_space<hbm>>
      tpu.enqueue_indirect_dma source(%dma_start3A_283 : memref<1000000x64xf32, #tpu.memory_space<hbm>>) target(%dma_start3A_277 : memref<128x64xf32, #tpu.memory_space<vmem>>) offsets(%dma_start3A_280 : memref<128xi32, #tpu.memory_space<vmem>>) semaphore(%arg10 : memref<!tpu.dma_semaphore, #tpu.memory_space<semaphore_mem>>)
      %dma_start3A_284 = arith.constant 4 : i32
      %dma_start3A_285 = arith.constant 2 : i32
      %dma_start3A_286 = arith.constant 0 : i32
      %dma_start3A_287 = arith.constant 128 : i32
      %dma_start3A_288 = arith.constant 0 : i32
      %dma_start3A_289 = tpu.memref_slice %arg6[%dma_start3A_285, %dma_start3A_286, %dma_start3A_287, %dma_start3A_288] : memref<4x2x200x64xf32, #tpu.memory_space<vmem>> -> memref<1x1x72x64xf32, #tpu.memory_space<vmem>>
      %dma_start3A_290 = tpu.memref_squeeze %dma_start3A_289 : memref<1x1x72x64xf32, #tpu.memory_space<vmem>> -> memref<72x64xf32, #tpu.memory_space<vmem>>
      %dma_start3A_291 = arith.constant 128 : i32
      %dma_start3A_292 = tpu.memref_slice %arg5[%rem3A_202, %dma_start3A_284, %dma_start3A_291] : memref<3x8x256xi32, #tpu.memory_space<vmem>> -> memref<1x1x72xi32, #tpu.memory_space<vmem>>
      %dma_start3A_293 = tpu.memref_squeeze %dma_start3A_292 : memref<1x1x72xi32, #tpu.memory_space<vmem>> -> memref<72xi32, #tpu.memory_space<vmem>>
      %dma_start3A_294 = arith.constant 0 : i32
      %dma_start3A_295 = arith.constant 0 : i32
      %dma_start3A_296 = tpu.memref_slice %arg2[%dma_start3A_294, %dma_start3A_295] : memref<1000000x64xf32, #tpu.memory_space<hbm>> -> memref<1000000x64xf32, #tpu.memory_space<hbm>>
      tpu.enqueue_indirect_dma source(%dma_start3A_296 : memref<1000000x64xf32, #tpu.memory_space<hbm>>) target(%dma_start3A_290 : memref<72x64xf32, #tpu.memory_space<vmem>>) offsets(%dma_start3A_293 : memref<72xi32, #tpu.memory_space<vmem>>) semaphore(%arg10 : memref<!tpu.dma_semaphore, #tpu.memory_space<semaphore_mem>>)
      %dma_start3A_297 = arith.constant 5 : i32
      %dma_start3A_298 = arith.constant 2 : i32
      %dma_start3A_299 = arith.constant 1 : i32
      %dma_start3A_300 = arith.constant 0 : i32
      %dma_start3A_301 = arith.constant 0 : i32
      %dma_start3A_302 = tpu.memref_slice %arg6[%dma_start3A_298, %dma_start3A_299, %dma_start3A_300, %dma_start3A_301] : memref<4x2x200x64xf32, #tpu.memory_space<vmem>> -> memref<1x1x128x64xf32, #tpu.memory_space<vmem>>
      %dma_start3A_303 = tpu.memref_squeeze %dma_start3A_302 : memref<1x1x128x64xf32, #tpu.memory_space<vmem>> -> memref<128x64xf32, #tpu.memory_space<vmem>>
      %dma_start3A_304 = arith.constant 0 : i32
      %dma_start3A_305 = tpu.memref_slice %arg5[%rem3A_202, %dma_start3A_297, %dma_start3A_304] : memref<3x8x256xi32, #tpu.memory_space<vmem>> -> memref<1x1x128xi32, #tpu.memory_space<vmem>>
      %dma_start3A_306 = tpu.memref_squeeze %dma_start3A_305 : memref<1x1x128xi32, #tpu.memory_space<vmem>> -> memref<128xi32, #tpu.memory_space<vmem>>
      %dma_start3A_307 = arith.constant 0 : i32
      %dma_start3A_308 = arith.constant 0 : i32
      %dma_start3A_309 = tpu.memref_slice %arg2[%dma_start3A_307, %dma_start3A_308] : memref<1000000x64xf32, #tpu.memory_space<hbm>> -> memref<1000000x64xf32, #tpu.memory_space<hbm>>
      tpu.enqueue_indirect_dma source(%dma_start3A_309 : memref<1000000x64xf32, #tpu.memory_space<hbm>>) target(%dma_start3A_303 : memref<128x64xf32, #tpu.memory_space<vmem>>) offsets(%dma_start3A_306 : memref<128xi32, #tpu.memory_space<vmem>>) semaphore(%arg10 : memref<!tpu.dma_semaphore, #tpu.memory_space<semaphore_mem>>)
      %dma_start3A_310 = arith.constant 5 : i32
      %dma_start3A_311 = arith.constant 2 : i32
      %dma_start3A_312 = arith.constant 1 : i32
      %dma_start3A_313 = arith.constant 128 : i32
      %dma_start3A_314 = arith.constant 0 : i32
      %dma_start3A_315 = tpu.memref_slice %arg6[%dma_start3A_311, %dma_start3A_312, %dma_start3A_313, %dma_start3A_314] : memref<4x2x200x64xf32, #tpu.memory_space<vmem>> -> memref<1x1x72x64xf32, #tpu.memory_space<vmem>>
      %dma_start3A_316 = tpu.memref_squeeze %dma_start3A_315 : memref<1x1x72x64xf32, #tpu.memory_space<vmem>> -> memref<72x64xf32, #tpu.memory_space<vmem>>
      %dma_start3A_317 = arith.constant 128 : i32
      %dma_start3A_318 = tpu.memref_slice %arg5[%rem3A_202, %dma_start3A_310, %dma_start3A_317] : memref<3x8x256xi32, #tpu.memory_space<vmem>> -> memref<1x1x72xi32, #tpu.memory_space<vmem>>
      %dma_start3A_319 = tpu.memref_squeeze %dma_start3A_318 : memref<1x1x72xi32, #tpu.memory_space<vmem>> -> memref<72xi32, #tpu.memory_space<vmem>>
      %dma_start3A_320 = arith.constant 0 : i32
      %dma_start3A_321 = arith.constant 0 : i32
      %dma_start3A_322 = tpu.memref_slice %arg2[%dma_start3A_320, %dma_start3A_321] : memref<1000000x64xf32, #tpu.memory_space<hbm>> -> memref<1000000x64xf32, #tpu.memory_space<hbm>>
      tpu.enqueue_indirect_dma source(%dma_start3A_322 : memref<1000000x64xf32, #tpu.memory_space<hbm>>) target(%dma_start3A_316 : memref<72x64xf32, #tpu.memory_space<vmem>>) offsets(%dma_start3A_319 : memref<72xi32, #tpu.memory_space<vmem>>) semaphore(%arg10 : memref<!tpu.dma_semaphore, #tpu.memory_space<semaphore_mem>>)
      %mul3A_323 = arith.constant 4 : i32
      %mul3A_324 = arith.muli %mul3A_323, %scan3A_201 : i32
      %add3A_325 = arith.constant 0 : i32
      %add3A_326 = arith.addi %mul3A_324, %add3A_325 : i32
      %mul3A_327 = arith.constant 2 : i32
      %mul3A_328 = arith.muli %add3A_326, %mul3A_327 : i32
      %add3A_329 = arith.addi %mul3A_2, %mul3A_328 : i32
      %dma_start3A_330 = arith.constant 0 : i32
      %dma_start3A_331 = arith.constant 0 : i32
      %dma_start3A_332 = arith.constant 0 : i32
      %dma_start3A_333 = arith.constant 0 : i32
      %dma_start3A_334 = tpu.memref_slice %arg6[%dma_start3A_330, %dma_start3A_331, %dma_start3A_332, %dma_start3A_333] : memref<4x2x200x64xf32, #tpu.memory_space<vmem>> -> memref<1x2x200x64xf32, #tpu.memory_space<vmem>>
      %dma_start3A_335 = tpu.memref_squeeze %dma_start3A_334 : memref<1x2x200x64xf32, #tpu.memory_space<vmem>> -> memref<2x200x64xf32, #tpu.memory_space<vmem>>
      %dma_start3A_336 = arith.constant 0 : i32
      %dma_start3A_337 = arith.constant 0 : i32
      %dma_start3A_338 = tpu.memref_slice %arg4[%add3A_329, %dma_start3A_336, %dma_start3A_337] : memref<16384x200x128xf32, #tpu.memory_space<hbm>> -> memref<2x200x64xf32, #tpu.memory_space<hbm>>
      %dma_start3A_339 = arith.constant 0 : i32
      %dma_start3A_340 = arith.constant 0 : i32
      %dma_start3A_341 = tpu.memref_slice %arg4[%add3A_329, %dma_start3A_339, %dma_start3A_340] : memref<16384x200x128xf32, #tpu.memory_space<hbm>> -> memref<2x200x64xf32, #tpu.memory_space<hbm>>
      %dma_start3A_342 = arith.constant 0 : i32
      %dma_start3A_343 = arith.constant 0 : i32
      %dma_start3A_344 = arith.constant 0 : i32
      %dma_start3A_345 = tpu.memref_slice %arg6[%dma_start3A_330, %dma_start3A_342, %dma_start3A_343, %dma_start3A_344] : memref<4x2x200x64xf32, #tpu.memory_space<vmem>> -> memref<1x2x200x64xf32, #tpu.memory_space<vmem>>
      %dma_start3A_346 = tpu.memref_squeeze %dma_start3A_345 : memref<1x2x200x64xf32, #tpu.memory_space<vmem>> -> memref<2x200x64xf32, #tpu.memory_space<vmem>>
      tpu.enqueue_dma source(%dma_start3A_346 : memref<2x200x64xf32, #tpu.memory_space<vmem>>) target(%dma_start3A_341 : memref<2x200x64xf32, #tpu.memory_space<hbm>>) target_semaphore(%arg12 : memref<!tpu.dma_semaphore, #tpu.memory_space<semaphore_mem>>)
      %dma_wait3A_347 = arith.constant 0 : i32
      %dma_wait3A_348 = arith.constant 0 : i32
      %dma_wait3A_349 = arith.constant 1 : i32
      %dma_wait3A_350 = arith.constant 0 : i32
      %dma_wait3A_351 = arith.constant 0 : i32
      %dma_wait3A_352 = arith.constant 0 : i32
      %dma_wait3A_353 = tpu.memref_slice %arg6[%dma_wait3A_349, %dma_wait3A_350, %dma_wait3A_351, %dma_wait3A_352] : memref<4x2x200x64xf32, #tpu.memory_space<vmem>> -> memref<1x1x128x64xf32, #tpu.memory_space<vmem>>
      %dma_wait3A_354 = tpu.memref_squeeze %dma_wait3A_353 : memref<1x1x128x64xf32, #tpu.memory_space<vmem>> -> memref<128x64xf32, #tpu.memory_space<vmem>>
      %dma_wait3A_355 = arith.constant 0 : i32
      %dma_wait3A_356 = tpu.memref_slice %arg5[%dma_wait3A_347, %dma_wait3A_348, %dma_wait3A_355] : memref<3x8x256xi32, #tpu.memory_space<vmem>> -> memref<1x1x128xi32, #tpu.memory_space<vmem>>
      %dma_wait3A_357 = tpu.memref_squeeze %dma_wait3A_356 : memref<1x1x128xi32, #tpu.memory_space<vmem>> -> memref<128xi32, #tpu.memory_space<vmem>>
      %dma_wait3A_358 = arith.constant 0 : i32
      %dma_wait3A_359 = arith.constant 0 : i32
      %dma_wait3A_360 = tpu.memref_slice %arg2[%dma_wait3A_358, %dma_wait3A_359] : memref<1000000x64xf32, #tpu.memory_space<hbm>> -> memref<1000000x64xf32, #tpu.memory_space<hbm>>
      tpu.wait_indirect_dma semaphore(%arg9 : memref<!tpu.dma_semaphore, #tpu.memory_space<semaphore_mem>>) src(%dma_wait3A_360 : memref<1000000x64xf32, #tpu.memory_space<hbm>>) dst(%dma_wait3A_354 : memref<128x64xf32, #tpu.memory_space<vmem>>)
      %dma_wait3A_361 = arith.constant 0 : i32
      %dma_wait3A_362 = arith.constant 0 : i32
      %dma_wait3A_363 = arith.constant 1 : i32
      %dma_wait3A_364 = arith.constant 0 : i32
      %dma_wait3A_365 = arith.constant 128 : i32
      %dma_wait3A_366 = arith.constant 0 : i32
      %dma_wait3A_367 = tpu.memref_slice %arg6[%dma_wait3A_363, %dma_wait3A_364, %dma_wait3A_365, %dma_wait3A_366] : memref<4x2x200x64xf32, #tpu.memory_space<vmem>> -> memref<1x1x72x64xf32, #tpu.memory_space<vmem>>
      %dma_wait3A_368 = tpu.memref_squeeze %dma_wait3A_367 : memref<1x1x72x64xf32, #tpu.memory_space<vmem>> -> memref<72x64xf32, #tpu.memory_space<vmem>>
      %dma_wait3A_369 = arith.constant 128 : i32
      %dma_wait3A_370 = tpu.memref_slice %arg5[%dma_wait3A_361, %dma_wait3A_362, %dma_wait3A_369] : memref<3x8x256xi32, #tpu.memory_space<vmem>> -> memref<1x1x72xi32, #tpu.memory_space<vmem>>
      %dma_wait3A_371 = tpu.memref_squeeze %dma_wait3A_370 : memref<1x1x72xi32, #tpu.memory_space<vmem>> -> memref<72xi32, #tpu.memory_space<vmem>>
      %dma_wait3A_372 = arith.constant 0 : i32
      %dma_wait3A_373 = arith.constant 0 : i32
      %dma_wait3A_374 = tpu.memref_slice %arg2[%dma_wait3A_372, %dma_wait3A_373] : memref<1000000x64xf32, #tpu.memory_space<hbm>> -> memref<1000000x64xf32, #tpu.memory_space<hbm>>
      tpu.wait_indirect_dma semaphore(%arg9 : memref<!tpu.dma_semaphore, #tpu.memory_space<semaphore_mem>>) src(%dma_wait3A_374 : memref<1000000x64xf32, #tpu.memory_space<hbm>>) dst(%dma_wait3A_368 : memref<72x64xf32, #tpu.memory_space<vmem>>)
      %dma_wait3A_375 = arith.constant 0 : i32
      %dma_wait3A_376 = arith.constant 1 : i32
      %dma_wait3A_377 = arith.constant 1 : i32
      %dma_wait3A_378 = arith.constant 1 : i32
      %dma_wait3A_379 = arith.constant 0 : i32
      %dma_wait3A_380 = arith.constant 0 : i32
      %dma_wait3A_381 = tpu.memref_slice %arg6[%dma_wait3A_377, %dma_wait3A_378, %dma_wait3A_379, %dma_wait3A_380] : memref<4x2x200x64xf32, #tpu.memory_space<vmem>> -> memref<1x1x128x64xf32, #tpu.memory_space<vmem>>
      %dma_wait3A_382 = tpu.memref_squeeze %dma_wait3A_381 : memref<1x1x128x64xf32, #tpu.memory_space<vmem>> -> memref<128x64xf32, #tpu.memory_space<vmem>>
      %dma_wait3A_383 = arith.constant 0 : i32
      %dma_wait3A_384 = tpu.memref_slice %arg5[%dma_wait3A_375, %dma_wait3A_376, %dma_wait3A_383] : memref<3x8x256xi32, #tpu.memory_space<vmem>> -> memref<1x1x128xi32, #tpu.memory_space<vmem>>
      %dma_wait3A_385 = tpu.memref_squeeze %dma_wait3A_384 : memref<1x1x128xi32, #tpu.memory_space<vmem>> -> memref<128xi32, #tpu.memory_space<vmem>>
      %dma_wait3A_386 = arith.constant 0 : i32
      %dma_wait3A_387 = arith.constant 0 : i32
      %dma_wait3A_388 = tpu.memref_slice %arg2[%dma_wait3A_386, %dma_wait3A_387] : memref<1000000x64xf32, #tpu.memory_space<hbm>> -> memref<1000000x64xf32, #tpu.memory_space<hbm>>
      tpu.wait_indirect_dma semaphore(%arg9 : memref<!tpu.dma_semaphore, #tpu.memory_space<semaphore_mem>>) src(%dma_wait3A_388 : memref<1000000x64xf32, #tpu.memory_space<hbm>>) dst(%dma_wait3A_382 : memref<128x64xf32, #tpu.memory_space<vmem>>)
      %dma_wait3A_389 = arith.constant 0 : i32
      %dma_wait3A_390 = arith.constant 1 : i32
      %dma_wait3A_391 = arith.constant 1 : i32
      %dma_wait3A_392 = arith.constant 1 : i32
      %dma_wait3A_393 = arith.constant 128 : i32
      %dma_wait3A_394 = arith.constant 0 : i32
      %dma_wait3A_395 = tpu.memref_slice %arg6[%dma_wait3A_391, %dma_wait3A_392, %dma_wait3A_393, %dma_wait3A_394] : memref<4x2x200x64xf32, #tpu.memory_space<vmem>> -> memref<1x1x72x64xf32, #tpu.memory_space<vmem>>
      %dma_wait3A_396 = tpu.memref_squeeze %dma_wait3A_395 : memref<1x1x72x64xf32, #tpu.memory_space<vmem>> -> memref<72x64xf32, #tpu.memory_space<vmem>>
      %dma_wait3A_397 = arith.constant 128 : i32
      %dma_wait3A_398 = tpu.memref_slice %arg5[%dma_wait3A_389, %dma_wait3A_390, %dma_wait3A_397] : memref<3x8x256xi32, #tpu.memory_space<vmem>> -> memref<1x1x72xi32, #tpu.memory_space<vmem>>
      %dma_wait3A_399 = tpu.memref_squeeze %dma_wait3A_398 : memref<1x1x72xi32, #tpu.memory_space<vmem>> -> memref<72xi32, #tpu.memory_space<vmem>>
      %dma_wait3A_400 = arith.constant 0 : i32
      %dma_wait3A_401 = arith.constant 0 : i32
      %dma_wait3A_402 = tpu.memref_slice %arg2[%dma_wait3A_400, %dma_wait3A_401] : memref<1000000x64xf32, #tpu.memory_space<hbm>> -> memref<1000000x64xf32, #tpu.memory_space<hbm>>
      tpu.wait_indirect_dma semaphore(%arg9 : memref<!tpu.dma_semaphore, #tpu.memory_space<semaphore_mem>>) src(%dma_wait3A_402 : memref<1000000x64xf32, #tpu.memory_space<hbm>>) dst(%dma_wait3A_396 : memref<72x64xf32, #tpu.memory_space<vmem>>)
      %ge3A_403 = arith.constant 1 : i32
      %ge3A_404 = arith.cmpi sge, %scan3A_201, %ge3A_403 : i32
      %convert_element_type3A_405 = arith.extui %ge3A_404 : i1 to i32
      %cond3A_406 = arith.constant 0 : i32
      %cond3A_407 = arith.cmpi ne, %convert_element_type3A_405, %cond3A_406 : i32
      scf.if %cond3A_407 {
        %dma_wait3A_654 = arith.constant 3 : i32
        %dma_wait3A_655 = arith.constant 0 : i32
        %dma_wait3A_656 = arith.constant 0 : i32
        %dma_wait3A_657 = arith.constant 0 : i32
        %dma_wait3A_658 = tpu.memref_slice %arg6[%dma_wait3A_654, %dma_wait3A_655, %dma_wait3A_656, %dma_wait3A_657] : memref<4x2x200x64xf32, #tpu.memory_space<vmem>> -> memref<1x2x200x64xf32, #tpu.memory_space<vmem>>
        %dma_wait3A_659 = tpu.memref_squeeze %dma_wait3A_658 : memref<1x2x200x64xf32, #tpu.memory_space<vmem>> -> memref<2x200x64xf32, #tpu.memory_space<vmem>>
        %dma_wait3A_660 = arith.constant 0 : i32
        %dma_wait3A_661 = arith.constant 0 : i32
        %dma_wait3A_662 = tpu.memref_slice %arg4[%mul3A_2, %dma_wait3A_660, %dma_wait3A_661] : memref<16384x200x128xf32, #tpu.memory_space<hbm>> -> memref<2x200x64xf32, #tpu.memory_space<hbm>>
        %dma_wait3A_663 = arith.constant 0 : i32
        %dma_wait3A_664 = arith.constant 0 : i32
        %dma_wait3A_665 = tpu.memref_slice %arg4[%mul3A_2, %dma_wait3A_663, %dma_wait3A_664] : memref<16384x200x128xf32, #tpu.memory_space<hbm>> -> memref<2x200x64xf32, #tpu.memory_space<hbm>>
        %dma_wait3A_666 = arith.constant 0 : i32
        %dma_wait3A_667 = arith.constant 0 : i32
        %dma_wait3A_668 = arith.constant 0 : i32
        %dma_wait3A_669 = tpu.memref_slice %arg6[%dma_wait3A_654, %dma_wait3A_666, %dma_wait3A_667, %dma_wait3A_668] : memref<4x2x200x64xf32, #tpu.memory_space<vmem>> -> memref<1x2x200x64xf32, #tpu.memory_space<vmem>>
        %dma_wait3A_670 = tpu.memref_squeeze %dma_wait3A_669 : memref<1x2x200x64xf32, #tpu.memory_space<vmem>> -> memref<2x200x64xf32, #tpu.memory_space<vmem>>
        tpu.wait_dma2 semaphore(%arg15 : memref<!tpu.dma_semaphore, #tpu.memory_space<semaphore_mem>>) src(%dma_wait3A_670 : memref<2x200x64xf32, #tpu.memory_space<vmem>>) dst(%dma_wait3A_665 : memref<2x200x64xf32, #tpu.memory_space<hbm>>)
      } else {
      }
      %dma_start3A_408 = arith.constant 6 : i32
      %dma_start3A_409 = arith.constant 3 : i32
      %dma_start3A_410 = arith.constant 0 : i32
      %dma_start3A_411 = arith.constant 0 : i32
      %dma_start3A_412 = arith.constant 0 : i32
      %dma_start3A_413 = tpu.memref_slice %arg6[%dma_start3A_409, %dma_start3A_410, %dma_start3A_411, %dma_start3A_412] : memref<4x2x200x64xf32, #tpu.memory_space<vmem>> -> memref<1x1x128x64xf32, #tpu.memory_space<vmem>>
      %dma_start3A_414 = tpu.memref_squeeze %dma_start3A_413 : memref<1x1x128x64xf32, #tpu.memory_space<vmem>> -> memref<128x64xf32, #tpu.memory_space<vmem>>
      %dma_start3A_415 = arith.constant 0 : i32
      %dma_start3A_416 = tpu.memref_slice %arg5[%rem3A_202, %dma_start3A_408, %dma_start3A_415] : memref<3x8x256xi32, #tpu.memory_space<vmem>> -> memref<1x1x128xi32, #tpu.memory_space<vmem>>
      %dma_start3A_417 = tpu.memref_squeeze %dma_start3A_416 : memref<1x1x128xi32, #tpu.memory_space<vmem>> -> memref<128xi32, #tpu.memory_space<vmem>>
      %dma_start3A_418 = arith.constant 0 : i32
      %dma_start3A_419 = arith.constant 0 : i32
      %dma_start3A_420 = tpu.memref_slice %arg2[%dma_start3A_418, %dma_start3A_419] : memref<1000000x64xf32, #tpu.memory_space<hbm>> -> memref<1000000x64xf32, #tpu.memory_space<hbm>>
      tpu.enqueue_indirect_dma source(%dma_start3A_420 : memref<1000000x64xf32, #tpu.memory_space<hbm>>) target(%dma_start3A_414 : memref<128x64xf32, #tpu.memory_space<vmem>>) offsets(%dma_start3A_417 : memref<128xi32, #tpu.memory_space<vmem>>) semaphore(%arg11 : memref<!tpu.dma_semaphore, #tpu.memory_space<semaphore_mem>>)
      %dma_start3A_421 = arith.constant 6 : i32
      %dma_start3A_422 = arith.constant 3 : i32
      %dma_start3A_423 = arith.constant 0 : i32
      %dma_start3A_424 = arith.constant 128 : i32
      %dma_start3A_425 = arith.constant 0 : i32
      %dma_start3A_426 = tpu.memref_slice %arg6[%dma_start3A_422, %dma_start3A_423, %dma_start3A_424, %dma_start3A_425] : memref<4x2x200x64xf32, #tpu.memory_space<vmem>> -> memref<1x1x72x64xf32, #tpu.memory_space<vmem>>
      %dma_start3A_427 = tpu.memref_squeeze %dma_start3A_426 : memref<1x1x72x64xf32, #tpu.memory_space<vmem>> -> memref<72x64xf32, #tpu.memory_space<vmem>>
      %dma_start3A_428 = arith.constant 128 : i32
      %dma_start3A_429 = tpu.memref_slice %arg5[%rem3A_202, %dma_start3A_421, %dma_start3A_428] : memref<3x8x256xi32, #tpu.memory_space<vmem>> -> memref<1x1x72xi32, #tpu.memory_space<vmem>>
      %dma_start3A_430 = tpu.memref_squeeze %dma_start3A_429 : memref<1x1x72xi32, #tpu.memory_space<vmem>> -> memref<72xi32, #tpu.memory_space<vmem>>
      %dma_start3A_431 = arith.constant 0 : i32
      %dma_start3A_432 = arith.constant 0 : i32
      %dma_start3A_433 = tpu.memref_slice %arg2[%dma_start3A_431, %dma_start3A_432] : memref<1000000x64xf32, #tpu.memory_space<hbm>> -> memref<1000000x64xf32, #tpu.memory_space<hbm>>
      tpu.enqueue_indirect_dma source(%dma_start3A_433 : memref<1000000x64xf32, #tpu.memory_space<hbm>>) target(%dma_start3A_427 : memref<72x64xf32, #tpu.memory_space<vmem>>) offsets(%dma_start3A_430 : memref<72xi32, #tpu.memory_space<vmem>>) semaphore(%arg11 : memref<!tpu.dma_semaphore, #tpu.memory_space<semaphore_mem>>)
      %dma_start3A_434 = arith.constant 7 : i32
      %dma_start3A_435 = arith.constant 3 : i32
      %dma_start3A_436 = arith.constant 1 : i32
      %dma_start3A_437 = arith.constant 0 : i32
      %dma_start3A_438 = arith.constant 0 : i32
      %dma_start3A_439 = tpu.memref_slice %arg6[%dma_start3A_435, %dma_start3A_436, %dma_start3A_437, %dma_start3A_438] : memref<4x2x200x64xf32, #tpu.memory_space<vmem>> -> memref<1x1x128x64xf32, #tpu.memory_space<vmem>>
      %dma_start3A_440 = tpu.memref_squeeze %dma_start3A_439 : memref<1x1x128x64xf32, #tpu.memory_space<vmem>> -> memref<128x64xf32, #tpu.memory_space<vmem>>
      %dma_start3A_441 = arith.constant 0 : i32
      %dma_start3A_442 = tpu.memref_slice %arg5[%rem3A_202, %dma_start3A_434, %dma_start3A_441] : memref<3x8x256xi32, #tpu.memory_space<vmem>> -> memref<1x1x128xi32, #tpu.memory_space<vmem>>
      %dma_start3A_443 = tpu.memref_squeeze %dma_start3A_442 : memref<1x1x128xi32, #tpu.memory_space<vmem>> -> memref<128xi32, #tpu.memory_space<vmem>>
      %dma_start3A_444 = arith.constant 0 : i32
      %dma_start3A_445 = arith.constant 0 : i32
      %dma_start3A_446 = tpu.memref_slice %arg2[%dma_start3A_444, %dma_start3A_445] : memref<1000000x64xf32, #tpu.memory_space<hbm>> -> memref<1000000x64xf32, #tpu.memory_space<hbm>>
      tpu.enqueue_indirect_dma source(%dma_start3A_446 : memref<1000000x64xf32, #tpu.memory_space<hbm>>) target(%dma_start3A_440 : memref<128x64xf32, #tpu.memory_space<vmem>>) offsets(%dma_start3A_443 : memref<128xi32, #tpu.memory_space<vmem>>) semaphore(%arg11 : memref<!tpu.dma_semaphore, #tpu.memory_space<semaphore_mem>>)
      %dma_start3A_447 = arith.constant 7 : i32
      %dma_start3A_448 = arith.constant 3 : i32
      %dma_start3A_449 = arith.constant 1 : i32
      %dma_start3A_450 = arith.constant 128 : i32
      %dma_start3A_451 = arith.constant 0 : i32
      %dma_start3A_452 = tpu.memref_slice %arg6[%dma_start3A_448, %dma_start3A_449, %dma_start3A_450, %dma_start3A_451] : memref<4x2x200x64xf32, #tpu.memory_space<vmem>> -> memref<1x1x72x64xf32, #tpu.memory_space<vmem>>
      %dma_start3A_453 = tpu.memref_squeeze %dma_start3A_452 : memref<1x1x72x64xf32, #tpu.memory_space<vmem>> -> memref<72x64xf32, #tpu.memory_space<vmem>>
      %dma_start3A_454 = arith.constant 128 : i32
      %dma_start3A_455 = tpu.memref_slice %arg5[%rem3A_202, %dma_start3A_447, %dma_start3A_454] : memref<3x8x256xi32, #tpu.memory_space<vmem>> -> memref<1x1x72xi32, #tpu.memory_space<vmem>>
      %dma_start3A_456 = tpu.memref_squeeze %dma_start3A_455 : memref<1x1x72xi32, #tpu.memory_space<vmem>> -> memref<72xi32, #tpu.memory_space<vmem>>
      %dma_start3A_457 = arith.constant 0 : i32
      %dma_start3A_458 = arith.constant 0 : i32
      %dma_start3A_459 = tpu.memref_slice %arg2[%dma_start3A_457, %dma_start3A_458] : memref<1000000x64xf32, #tpu.memory_space<hbm>> -> memref<1000000x64xf32, #tpu.memory_space<hbm>>
      tpu.enqueue_indirect_dma source(%dma_start3A_459 : memref<1000000x64xf32, #tpu.memory_space<hbm>>) target(%dma_start3A_453 : memref<72x64xf32, #tpu.memory_space<vmem>>) offsets(%dma_start3A_456 : memref<72xi32, #tpu.memory_space<vmem>>) semaphore(%arg11 : memref<!tpu.dma_semaphore, #tpu.memory_space<semaphore_mem>>)
      %mul3A_460 = arith.constant 4 : i32
      %mul3A_461 = arith.muli %mul3A_460, %scan3A_201 : i32
      %add3A_462 = arith.constant 1 : i32
      %add3A_463 = arith.addi %mul3A_461, %add3A_462 : i32
      %mul3A_464 = arith.constant 2 : i32
      %mul3A_465 = arith.muli %add3A_463, %mul3A_464 : i32
      %add3A_466 = arith.addi %mul3A_2, %mul3A_465 : i32
      %dma_start3A_467 = arith.constant 1 : i32
      %dma_start3A_468 = arith.constant 0 : i32
      %dma_start3A_469 = arith.constant 0 : i32
      %dma_start3A_470 = arith.constant 0 : i32
      %dma_start3A_471 = tpu.memref_slice %arg6[%dma_start3A_467, %dma_start3A_468, %dma_start3A_469, %dma_start3A_470] : memref<4x2x200x64xf32, #tpu.memory_space<vmem>> -> memref<1x2x200x64xf32, #tpu.memory_space<vmem>>
      %dma_start3A_472 = tpu.memref_squeeze %dma_start3A_471 : memref<1x2x200x64xf32, #tpu.memory_space<vmem>> -> memref<2x200x64xf32, #tpu.memory_space<vmem>>
      %dma_start3A_473 = arith.constant 0 : i32
      %dma_start3A_474 = arith.constant 0 : i32
      %dma_start3A_475 = tpu.memref_slice %arg4[%add3A_466, %dma_start3A_473, %dma_start3A_474] : memref<16384x200x128xf32, #tpu.memory_space<hbm>> -> memref<2x200x64xf32, #tpu.memory_space<hbm>>
      %dma_start3A_476 = arith.constant 0 : i32
      %dma_start3A_477 = arith.constant 0 : i32
      %dma_start3A_478 = tpu.memref_slice %arg4[%add3A_466, %dma_start3A_476, %dma_start3A_477] : memref<16384x200x128xf32, #tpu.memory_space<hbm>> -> memref<2x200x64xf32, #tpu.memory_space<hbm>>
      %dma_start3A_479 = arith.constant 0 : i32
      %dma_start3A_480 = arith.constant 0 : i32
      %dma_start3A_481 = arith.constant 0 : i32
      %dma_start3A_482 = tpu.memref_slice %arg6[%dma_start3A_467, %dma_start3A_479, %dma_start3A_480, %dma_start3A_481] : memref<4x2x200x64xf32, #tpu.memory_space<vmem>> -> memref<1x2x200x64xf32, #tpu.memory_space<vmem>>
      %dma_start3A_483 = tpu.memref_squeeze %dma_start3A_482 : memref<1x2x200x64xf32, #tpu.memory_space<vmem>> -> memref<2x200x64xf32, #tpu.memory_space<vmem>>
      tpu.enqueue_dma source(%dma_start3A_483 : memref<2x200x64xf32, #tpu.memory_space<vmem>>) target(%dma_start3A_478 : memref<2x200x64xf32, #tpu.memory_space<hbm>>) target_semaphore(%arg13 : memref<!tpu.dma_semaphore, #tpu.memory_space<semaphore_mem>>)
      %dma_wait3A_484 = arith.constant 0 : i32
      %dma_wait3A_485 = arith.constant 0 : i32
      %dma_wait3A_486 = arith.constant 2 : i32
      %dma_wait3A_487 = arith.constant 0 : i32
      %dma_wait3A_488 = arith.constant 0 : i32
      %dma_wait3A_489 = arith.constant 0 : i32
      %dma_wait3A_490 = tpu.memref_slice %arg6[%dma_wait3A_486, %dma_wait3A_487, %dma_wait3A_488, %dma_wait3A_489] : memref<4x2x200x64xf32, #tpu.memory_space<vmem>> -> memref<1x1x128x64xf32, #tpu.memory_space<vmem>>
      %dma_wait3A_491 = tpu.memref_squeeze %dma_wait3A_490 : memref<1x1x128x64xf32, #tpu.memory_space<vmem>> -> memref<128x64xf32, #tpu.memory_space<vmem>>
      %dma_wait3A_492 = arith.constant 0 : i32
      %dma_wait3A_493 = tpu.memref_slice %arg5[%dma_wait3A_484, %dma_wait3A_485, %dma_wait3A_492] : memref<3x8x256xi32, #tpu.memory_space<vmem>> -> memref<1x1x128xi32, #tpu.memory_space<vmem>>
      %dma_wait3A_494 = tpu.memref_squeeze %dma_wait3A_493 : memref<1x1x128xi32, #tpu.memory_space<vmem>> -> memref<128xi32, #tpu.memory_space<vmem>>
      %dma_wait3A_495 = arith.constant 0 : i32
      %dma_wait3A_496 = arith.constant 0 : i32
      %dma_wait3A_497 = tpu.memref_slice %arg2[%dma_wait3A_495, %dma_wait3A_496] : memref<1000000x64xf32, #tpu.memory_space<hbm>> -> memref<1000000x64xf32, #tpu.memory_space<hbm>>
      tpu.wait_indirect_dma semaphore(%arg10 : memref<!tpu.dma_semaphore, #tpu.memory_space<semaphore_mem>>) src(%dma_wait3A_497 : memref<1000000x64xf32, #tpu.memory_space<hbm>>) dst(%dma_wait3A_491 : memref<128x64xf32, #tpu.memory_space<vmem>>)
      %dma_wait3A_498 = arith.constant 0 : i32
      %dma_wait3A_499 = arith.constant 0 : i32
      %dma_wait3A_500 = arith.constant 2 : i32
      %dma_wait3A_501 = arith.constant 0 : i32
      %dma_wait3A_502 = arith.constant 128 : i32
      %dma_wait3A_503 = arith.constant 0 : i32
      %dma_wait3A_504 = tpu.memref_slice %arg6[%dma_wait3A_500, %dma_wait3A_501, %dma_wait3A_502, %dma_wait3A_503] : memref<4x2x200x64xf32, #tpu.memory_space<vmem>> -> memref<1x1x72x64xf32, #tpu.memory_space<vmem>>
      %dma_wait3A_505 = tpu.memref_squeeze %dma_wait3A_504 : memref<1x1x72x64xf32, #tpu.memory_space<vmem>> -> memref<72x64xf32, #tpu.memory_space<vmem>>
      %dma_wait3A_506 = arith.constant 128 : i32
      %dma_wait3A_507 = tpu.memref_slice %arg5[%dma_wait3A_498, %dma_wait3A_499, %dma_wait3A_506] : memref<3x8x256xi32, #tpu.memory_space<vmem>> -> memref<1x1x72xi32, #tpu.memory_space<vmem>>
      %dma_wait3A_508 = tpu.memref_squeeze %dma_wait3A_507 : memref<1x1x72xi32, #tpu.memory_space<vmem>> -> memref<72xi32, #tpu.memory_space<vmem>>
      %dma_wait3A_509 = arith.constant 0 : i32
      %dma_wait3A_510 = arith.constant 0 : i32
      %dma_wait3A_511 = tpu.memref_slice %arg2[%dma_wait3A_509, %dma_wait3A_510] : memref<1000000x64xf32, #tpu.memory_space<hbm>> -> memref<1000000x64xf32, #tpu.memory_space<hbm>>
      tpu.wait_indirect_dma semaphore(%arg10 : memref<!tpu.dma_semaphore, #tpu.memory_space<semaphore_mem>>) src(%dma_wait3A_511 : memref<1000000x64xf32, #tpu.memory_space<hbm>>) dst(%dma_wait3A_505 : memref<72x64xf32, #tpu.memory_space<vmem>>)
      %dma_wait3A_512 = arith.constant 0 : i32
      %dma_wait3A_513 = arith.constant 1 : i32
      %dma_wait3A_514 = arith.constant 2 : i32
      %dma_wait3A_515 = arith.constant 1 : i32
      %dma_wait3A_516 = arith.constant 0 : i32
      %dma_wait3A_517 = arith.constant 0 : i32
      %dma_wait3A_518 = tpu.memref_slice %arg6[%dma_wait3A_514, %dma_wait3A_515, %dma_wait3A_516, %dma_wait3A_517] : memref<4x2x200x64xf32, #tpu.memory_space<vmem>> -> memref<1x1x128x64xf32, #tpu.memory_space<vmem>>
      %dma_wait3A_519 = tpu.memref_squeeze %dma_wait3A_518 : memref<1x1x128x64xf32, #tpu.memory_space<vmem>> -> memref<128x64xf32, #tpu.memory_space<vmem>>
      %dma_wait3A_520 = arith.constant 0 : i32
      %dma_wait3A_521 = tpu.memref_slice %arg5[%dma_wait3A_512, %dma_wait3A_513, %dma_wait3A_520] : memref<3x8x256xi32, #tpu.memory_space<vmem>> -> memref<1x1x128xi32, #tpu.memory_space<vmem>>
      %dma_wait3A_522 = tpu.memref_squeeze %dma_wait3A_521 : memref<1x1x128xi32, #tpu.memory_space<vmem>> -> memref<128xi32, #tpu.memory_space<vmem>>
      %dma_wait3A_523 = arith.constant 0 : i32
      %dma_wait3A_524 = arith.constant 0 : i32
      %dma_wait3A_525 = tpu.memref_slice %arg2[%dma_wait3A_523, %dma_wait3A_524] : memref<1000000x64xf32, #tpu.memory_space<hbm>> -> memref<1000000x64xf32, #tpu.memory_space<hbm>>
      tpu.wait_indirect_dma semaphore(%arg10 : memref<!tpu.dma_semaphore, #tpu.memory_space<semaphore_mem>>) src(%dma_wait3A_525 : memref<1000000x64xf32, #tpu.memory_space<hbm>>) dst(%dma_wait3A_519 : memref<128x64xf32, #tpu.memory_space<vmem>>)
      %dma_wait3A_526 = arith.constant 0 : i32
      %dma_wait3A_527 = arith.constant 1 : i32
      %dma_wait3A_528 = arith.constant 2 : i32
      %dma_wait3A_529 = arith.constant 1 : i32
      %dma_wait3A_530 = arith.constant 128 : i32
      %dma_wait3A_531 = arith.constant 0 : i32
      %dma_wait3A_532 = tpu.memref_slice %arg6[%dma_wait3A_528, %dma_wait3A_529, %dma_wait3A_530, %dma_wait3A_531] : memref<4x2x200x64xf32, #tpu.memory_space<vmem>> -> memref<1x1x72x64xf32, #tpu.memory_space<vmem>>
      %dma_wait3A_533 = tpu.memref_squeeze %dma_wait3A_532 : memref<1x1x72x64xf32, #tpu.memory_space<vmem>> -> memref<72x64xf32, #tpu.memory_space<vmem>>
      %dma_wait3A_534 = arith.constant 128 : i32
      %dma_wait3A_535 = tpu.memref_slice %arg5[%dma_wait3A_526, %dma_wait3A_527, %dma_wait3A_534] : memref<3x8x256xi32, #tpu.memory_space<vmem>> -> memref<1x1x72xi32, #tpu.memory_space<vmem>>
      %dma_wait3A_536 = tpu.memref_squeeze %dma_wait3A_535 : memref<1x1x72xi32, #tpu.memory_space<vmem>> -> memref<72xi32, #tpu.memory_space<vmem>>
      %dma_wait3A_537 = arith.constant 0 : i32
      %dma_wait3A_538 = arith.constant 0 : i32
      %dma_wait3A_539 = tpu.memref_slice %arg2[%dma_wait3A_537, %dma_wait3A_538] : memref<1000000x64xf32, #tpu.memory_space<hbm>> -> memref<1000000x64xf32, #tpu.memory_space<hbm>>
      tpu.wait_indirect_dma semaphore(%arg10 : memref<!tpu.dma_semaphore, #tpu.memory_space<semaphore_mem>>) src(%dma_wait3A_539 : memref<1000000x64xf32, #tpu.memory_space<hbm>>) dst(%dma_wait3A_533 : memref<72x64xf32, #tpu.memory_space<vmem>>)
      %lt3A_540 = arith.constant 63 : i32
      %lt3A_541 = arith.cmpi slt, %scan3A_201, %lt3A_540 : i32
      %convert_element_type3A_542 = arith.extui %lt3A_541 : i1 to i32
      %cond3A_543 = arith.constant 0 : i32
      %cond3A_544 = arith.cmpi ne, %convert_element_type3A_542, %cond3A_543 : i32
      scf.if %cond3A_544 {
        %dma_wait3A_654 = arith.constant 0 : i32
        %dma_wait3A_655 = arith.constant 0 : i32
        %dma_wait3A_656 = arith.constant 0 : i32
        %dma_wait3A_657 = tpu.memref_slice %arg5[%dma_wait3A_654, %dma_wait3A_655, %dma_wait3A_656] : memref<3x8x256xi32, #tpu.memory_space<vmem>> -> memref<1x8x256xi32, #tpu.memory_space<vmem>>
        %dma_wait3A_658 = tpu.memref_squeeze %dma_wait3A_657 : memref<1x8x256xi32, #tpu.memory_space<vmem>> -> memref<8x256xi32, #tpu.memory_space<vmem>>
        %dma_wait3A_659 = arith.constant 0 : i32
        %dma_wait3A_660 = tpu.memref_slice %arg3[%mul3A_2, %dma_wait3A_659] : memref<16384x256xi32, #tpu.memory_space<hbm>> -> memref<8x256xi32, #tpu.memory_space<hbm>>
        %dma_wait3A_661 = arith.constant 0 : i32
        %dma_wait3A_662 = arith.constant 0 : i32
        %dma_wait3A_663 = tpu.memref_slice %arg5[%dma_wait3A_654, %dma_wait3A_661, %dma_wait3A_662] : memref<3x8x256xi32, #tpu.memory_space<vmem>> -> memref<1x8x256xi32, #tpu.memory_space<vmem>>
        %dma_wait3A_664 = tpu.memref_squeeze %dma_wait3A_663 : memref<1x8x256xi32, #tpu.memory_space<vmem>> -> memref<8x256xi32, #tpu.memory_space<vmem>>
        %dma_wait3A_665 = arith.constant 0 : i32
        %dma_wait3A_666 = tpu.memref_slice %arg3[%mul3A_2, %dma_wait3A_665] : memref<16384x256xi32, #tpu.memory_space<hbm>> -> memref<8x256xi32, #tpu.memory_space<hbm>>
        tpu.wait_dma2 semaphore(%arg7 : memref<!tpu.dma_semaphore, #tpu.memory_space<semaphore_mem>>) src(%dma_wait3A_666 : memref<8x256xi32, #tpu.memory_space<hbm>>) dst(%dma_wait3A_664 : memref<8x256xi32, #tpu.memory_space<vmem>>)
        %dma_wait3A_667 = arith.constant 0 : i32
        %dma_wait3A_668 = arith.constant 0 : i32
        %dma_wait3A_669 = arith.constant 0 : i32
        %dma_wait3A_670 = arith.constant 0 : i32
        %dma_wait3A_671 = tpu.memref_slice %arg6[%dma_wait3A_667, %dma_wait3A_668, %dma_wait3A_669, %dma_wait3A_670] : memref<4x2x200x64xf32, #tpu.memory_space<vmem>> -> memref<1x2x200x64xf32, #tpu.memory_space<vmem>>
        %dma_wait3A_672 = tpu.memref_squeeze %dma_wait3A_671 : memref<1x2x200x64xf32, #tpu.memory_space<vmem>> -> memref<2x200x64xf32, #tpu.memory_space<vmem>>
        %dma_wait3A_673 = arith.constant 0 : i32
        %dma_wait3A_674 = arith.constant 0 : i32
        %dma_wait3A_675 = tpu.memref_slice %arg4[%mul3A_2, %dma_wait3A_673, %dma_wait3A_674] : memref<16384x200x128xf32, #tpu.memory_space<hbm>> -> memref<2x200x64xf32, #tpu.memory_space<hbm>>
        %dma_wait3A_676 = arith.constant 0 : i32
        %dma_wait3A_677 = arith.constant 0 : i32
        %dma_wait3A_678 = tpu.memref_slice %arg4[%mul3A_2, %dma_wait3A_676, %dma_wait3A_677] : memref<16384x200x128xf32, #tpu.memory_space<hbm>> -> memref<2x200x64xf32, #tpu.memory_space<hbm>>
        %dma_wait3A_679 = arith.constant 0 : i32
        %dma_wait3A_680 = arith.constant 0 : i32
        %dma_wait3A_681 = arith.constant 0 : i32
        %dma_wait3A_682 = tpu.memref_slice %arg6[%dma_wait3A_667, %dma_wait3A_679, %dma_wait3A_680, %dma_wait3A_681] : memref<4x2x200x64xf32, #tpu.memory_space<vmem>> -> memref<1x2x200x64xf32, #tpu.memory_space<vmem>>
        %dma_wait3A_683 = tpu.memref_squeeze %dma_wait3A_682 : memref<1x2x200x64xf32, #tpu.memory_space<vmem>> -> memref<2x200x64xf32, #tpu.memory_space<vmem>>
        tpu.wait_dma2 semaphore(%arg12 : memref<!tpu.dma_semaphore, #tpu.memory_space<semaphore_mem>>) src(%dma_wait3A_683 : memref<2x200x64xf32, #tpu.memory_space<vmem>>) dst(%dma_wait3A_678 : memref<2x200x64xf32, #tpu.memory_space<hbm>>)
        %dma_start3A_684 = arith.constant 0 : i32
        %dma_start3A_685 = arith.constant 0 : i32
        %dma_start3A_686 = arith.constant 0 : i32
        %dma_start3A_687 = arith.constant 0 : i32
        %dma_start3A_688 = arith.constant 0 : i32
        %dma_start3A_689 = tpu.memref_slice %arg6[%dma_start3A_685, %dma_start3A_686, %dma_start3A_687, %dma_start3A_688] : memref<4x2x200x64xf32, #tpu.memory_space<vmem>> -> memref<1x1x128x64xf32, #tpu.memory_space<vmem>>
        %dma_start3A_690 = tpu.memref_squeeze %dma_start3A_689 : memref<1x1x128x64xf32, #tpu.memory_space<vmem>> -> memref<128x64xf32, #tpu.memory_space<vmem>>
        %dma_start3A_691 = arith.constant 0 : i32
        %dma_start3A_692 = tpu.memref_slice %arg5[%rem3A_206, %dma_start3A_684, %dma_start3A_691] : memref<3x8x256xi32, #tpu.memory_space<vmem>> -> memref<1x1x128xi32, #tpu.memory_space<vmem>>
        %dma_start3A_693 = tpu.memref_squeeze %dma_start3A_692 : memref<1x1x128xi32, #tpu.memory_space<vmem>> -> memref<128xi32, #tpu.memory_space<vmem>>
        %dma_start3A_694 = arith.constant 0 : i32
        %dma_start3A_695 = arith.constant 0 : i32
        %dma_start3A_696 = tpu.memref_slice %arg2[%dma_start3A_694, %dma_start3A_695] : memref<1000000x64xf32, #tpu.memory_space<hbm>> -> memref<1000000x64xf32, #tpu.memory_space<hbm>>
        tpu.enqueue_indirect_dma source(%dma_start3A_696 : memref<1000000x64xf32, #tpu.memory_space<hbm>>) target(%dma_start3A_690 : memref<128x64xf32, #tpu.memory_space<vmem>>) offsets(%dma_start3A_693 : memref<128xi32, #tpu.memory_space<vmem>>) semaphore(%arg8 : memref<!tpu.dma_semaphore, #tpu.memory_space<semaphore_mem>>)
        %dma_start3A_697 = arith.constant 0 : i32
        %dma_start3A_698 = arith.constant 0 : i32
        %dma_start3A_699 = arith.constant 0 : i32
        %dma_start3A_700 = arith.constant 128 : i32
        %dma_start3A_701 = arith.constant 0 : i32
        %dma_start3A_702 = tpu.memref_slice %arg6[%dma_start3A_698, %dma_start3A_699, %dma_start3A_700, %dma_start3A_701] : memref<4x2x200x64xf32, #tpu.memory_space<vmem>> -> memref<1x1x72x64xf32, #tpu.memory_space<vmem>>
        %dma_start3A_703 = tpu.memref_squeeze %dma_start3A_702 : memref<1x1x72x64xf32, #tpu.memory_space<vmem>> -> memref<72x64xf32, #tpu.memory_space<vmem>>
        %dma_start3A_704 = arith.constant 128 : i32
        %dma_start3A_705 = tpu.memref_slice %arg5[%rem3A_206, %dma_start3A_697, %dma_start3A_704] : memref<3x8x256xi32, #tpu.memory_space<vmem>> -> memref<1x1x72xi32, #tpu.memory_space<vmem>>
        %dma_start3A_706 = tpu.memref_squeeze %dma_start3A_705 : memref<1x1x72xi32, #tpu.memory_space<vmem>> -> memref<72xi32, #tpu.memory_space<vmem>>
        %dma_start3A_707 = arith.constant 0 : i32
        %dma_start3A_708 = arith.constant 0 : i32
        %dma_start3A_709 = tpu.memref_slice %arg2[%dma_start3A_707, %dma_start3A_708] : memref<1000000x64xf32, #tpu.memory_space<hbm>> -> memref<1000000x64xf32, #tpu.memory_space<hbm>>
        tpu.enqueue_indirect_dma source(%dma_start3A_709 : memref<1000000x64xf32, #tpu.memory_space<hbm>>) target(%dma_start3A_703 : memref<72x64xf32, #tpu.memory_space<vmem>>) offsets(%dma_start3A_706 : memref<72xi32, #tpu.memory_space<vmem>>) semaphore(%arg8 : memref<!tpu.dma_semaphore, #tpu.memory_space<semaphore_mem>>)
        %dma_start3A_710 = arith.constant 1 : i32
        %dma_start3A_711 = arith.constant 0 : i32
        %dma_start3A_712 = arith.constant 1 : i32
        %dma_start3A_713 = arith.constant 0 : i32
        %dma_start3A_714 = arith.constant 0 : i32
        %dma_start3A_715 = tpu.memref_slice %arg6[%dma_start3A_711, %dma_start3A_712, %dma_start3A_713, %dma_start3A_714] : memref<4x2x200x64xf32, #tpu.memory_space<vmem>> -> memref<1x1x128x64xf32, #tpu.memory_space<vmem>>
        %dma_start3A_716 = tpu.memref_squeeze %dma_start3A_715 : memref<1x1x128x64xf32, #tpu.memory_space<vmem>> -> memref<128x64xf32, #tpu.memory_space<vmem>>
        %dma_start3A_717 = arith.constant 0 : i32
        %dma_start3A_718 = tpu.memref_slice %arg5[%rem3A_206, %dma_start3A_710, %dma_start3A_717] : memref<3x8x256xi32, #tpu.memory_space<vmem>> -> memref<1x1x128xi32, #tpu.memory_space<vmem>>
        %dma_start3A_719 = tpu.memref_squeeze %dma_start3A_718 : memref<1x1x128xi32, #tpu.memory_space<vmem>> -> memref<128xi32, #tpu.memory_space<vmem>>
        %dma_start3A_720 = arith.constant 0 : i32
        %dma_start3A_721 = arith.constant 0 : i32
        %dma_start3A_722 = tpu.memref_slice %arg2[%dma_start3A_720, %dma_start3A_721] : memref<1000000x64xf32, #tpu.memory_space<hbm>> -> memref<1000000x64xf32, #tpu.memory_space<hbm>>
        tpu.enqueue_indirect_dma source(%dma_start3A_722 : memref<1000000x64xf32, #tpu.memory_space<hbm>>) target(%dma_start3A_716 : memref<128x64xf32, #tpu.memory_space<vmem>>) offsets(%dma_start3A_719 : memref<128xi32, #tpu.memory_space<vmem>>) semaphore(%arg8 : memref<!tpu.dma_semaphore, #tpu.memory_space<semaphore_mem>>)
        %dma_start3A_723 = arith.constant 1 : i32
        %dma_start3A_724 = arith.constant 0 : i32
        %dma_start3A_725 = arith.constant 1 : i32
        %dma_start3A_726 = arith.constant 128 : i32
        %dma_start3A_727 = arith.constant 0 : i32
        %dma_start3A_728 = tpu.memref_slice %arg6[%dma_start3A_724, %dma_start3A_725, %dma_start3A_726, %dma_start3A_727] : memref<4x2x200x64xf32, #tpu.memory_space<vmem>> -> memref<1x1x72x64xf32, #tpu.memory_space<vmem>>
        %dma_start3A_729 = tpu.memref_squeeze %dma_start3A_728 : memref<1x1x72x64xf32, #tpu.memory_space<vmem>> -> memref<72x64xf32, #tpu.memory_space<vmem>>
        %dma_start3A_730 = arith.constant 128 : i32
        %dma_start3A_731 = tpu.memref_slice %arg5[%rem3A_206, %dma_start3A_723, %dma_start3A_730] : memref<3x8x256xi32, #tpu.memory_space<vmem>> -> memref<1x1x72xi32, #tpu.memory_space<vmem>>
        %dma_start3A_732 = tpu.memref_squeeze %dma_start3A_731 : memref<1x1x72xi32, #tpu.memory_space<vmem>> -> memref<72xi32, #tpu.memory_space<vmem>>
        %dma_start3A_733 = arith.constant 0 : i32
        %dma_start3A_734 = arith.constant 0 : i32
        %dma_start3A_735 = tpu.memref_slice %arg2[%dma_start3A_733, %dma_start3A_734] : memref<1000000x64xf32, #tpu.memory_space<hbm>> -> memref<1000000x64xf32, #tpu.memory_space<hbm>>
        tpu.enqueue_indirect_dma source(%dma_start3A_735 : memref<1000000x64xf32, #tpu.memory_space<hbm>>) target(%dma_start3A_729 : memref<72x64xf32, #tpu.memory_space<vmem>>) offsets(%dma_start3A_732 : memref<72xi32, #tpu.memory_space<vmem>>) semaphore(%arg8 : memref<!tpu.dma_semaphore, #tpu.memory_space<semaphore_mem>>)
      } else {
      }
      %mul3A_545 = arith.constant 4 : i32
      %mul3A_546 = arith.muli %mul3A_545, %scan3A_201 : i32
      %add3A_547 = arith.constant 2 : i32
      %add3A_548 = arith.addi %mul3A_546, %add3A_547 : i32
      %mul3A_549 = arith.constant 2 : i32
      %mul3A_550 = arith.muli %add3A_548, %mul3A_549 : i32
      %add3A_551 = arith.addi %mul3A_2, %mul3A_550 : i32
      %dma_start3A_552 = arith.constant 2 : i32
      %dma_start3A_553 = arith.constant 0 : i32
      %dma_start3A_554 = arith.constant 0 : i32
      %dma_start3A_555 = arith.constant 0 : i32
      %dma_start3A_556 = tpu.memref_slice %arg6[%dma_start3A_552, %dma_start3A_553, %dma_start3A_554, %dma_start3A_555] : memref<4x2x200x64xf32, #tpu.memory_space<vmem>> -> memref<1x2x200x64xf32, #tpu.memory_space<vmem>>
      %dma_start3A_557 = tpu.memref_squeeze %dma_start3A_556 : memref<1x2x200x64xf32, #tpu.memory_space<vmem>> -> memref<2x200x64xf32, #tpu.memory_space<vmem>>
      %dma_start3A_558 = arith.constant 0 : i32
      %dma_start3A_559 = arith.constant 0 : i32
      %dma_start3A_560 = tpu.memref_slice %arg4[%add3A_551, %dma_start3A_558, %dma_start3A_559] : memref<16384x200x128xf32, #tpu.memory_space<hbm>> -> memref<2x200x64xf32, #tpu.memory_space<hbm>>
      %dma_start3A_561 = arith.constant 0 : i32
      %dma_start3A_562 = arith.constant 0 : i32
      %dma_start3A_563 = tpu.memref_slice %arg4[%add3A_551, %dma_start3A_561, %dma_start3A_562] : memref<16384x200x128xf32, #tpu.memory_space<hbm>> -> memref<2x200x64xf32, #tpu.memory_space<hbm>>
      %dma_start3A_564 = arith.constant 0 : i32
      %dma_start3A_565 = arith.constant 0 : i32
      %dma_start3A_566 = arith.constant 0 : i32
      %dma_start3A_567 = tpu.memref_slice %arg6[%dma_start3A_552, %dma_start3A_564, %dma_start3A_565, %dma_start3A_566] : memref<4x2x200x64xf32, #tpu.memory_space<vmem>> -> memref<1x2x200x64xf32, #tpu.memory_space<vmem>>
      %dma_start3A_568 = tpu.memref_squeeze %dma_start3A_567 : memref<1x2x200x64xf32, #tpu.memory_space<vmem>> -> memref<2x200x64xf32, #tpu.memory_space<vmem>>
      tpu.enqueue_dma source(%dma_start3A_568 : memref<2x200x64xf32, #tpu.memory_space<vmem>>) target(%dma_start3A_563 : memref<2x200x64xf32, #tpu.memory_space<hbm>>) target_semaphore(%arg14 : memref<!tpu.dma_semaphore, #tpu.memory_space<semaphore_mem>>)
      %dma_wait3A_569 = arith.constant 0 : i32
      %dma_wait3A_570 = arith.constant 0 : i32
      %dma_wait3A_571 = arith.constant 3 : i32
      %dma_wait3A_572 = arith.constant 0 : i32
      %dma_wait3A_573 = arith.constant 0 : i32
      %dma_wait3A_574 = arith.constant 0 : i32
      %dma_wait3A_575 = tpu.memref_slice %arg6[%dma_wait3A_571, %dma_wait3A_572, %dma_wait3A_573, %dma_wait3A_574] : memref<4x2x200x64xf32, #tpu.memory_space<vmem>> -> memref<1x1x128x64xf32, #tpu.memory_space<vmem>>
      %dma_wait3A_576 = tpu.memref_squeeze %dma_wait3A_575 : memref<1x1x128x64xf32, #tpu.memory_space<vmem>> -> memref<128x64xf32, #tpu.memory_space<vmem>>
      %dma_wait3A_577 = arith.constant 0 : i32
      %dma_wait3A_578 = tpu.memref_slice %arg5[%dma_wait3A_569, %dma_wait3A_570, %dma_wait3A_577] : memref<3x8x256xi32, #tpu.memory_space<vmem>> -> memref<1x1x128xi32, #tpu.memory_space<vmem>>
      %dma_wait3A_579 = tpu.memref_squeeze %dma_wait3A_578 : memref<1x1x128xi32, #tpu.memory_space<vmem>> -> memref<128xi32, #tpu.memory_space<vmem>>
      %dma_wait3A_580 = arith.constant 0 : i32
      %dma_wait3A_581 = arith.constant 0 : i32
      %dma_wait3A_582 = tpu.memref_slice %arg2[%dma_wait3A_580, %dma_wait3A_581] : memref<1000000x64xf32, #tpu.memory_space<hbm>> -> memref<1000000x64xf32, #tpu.memory_space<hbm>>
      tpu.wait_indirect_dma semaphore(%arg11 : memref<!tpu.dma_semaphore, #tpu.memory_space<semaphore_mem>>) src(%dma_wait3A_582 : memref<1000000x64xf32, #tpu.memory_space<hbm>>) dst(%dma_wait3A_576 : memref<128x64xf32, #tpu.memory_space<vmem>>)
      %dma_wait3A_583 = arith.constant 0 : i32
      %dma_wait3A_584 = arith.constant 0 : i32
      %dma_wait3A_585 = arith.constant 3 : i32
      %dma_wait3A_586 = arith.constant 0 : i32
      %dma_wait3A_587 = arith.constant 128 : i32
      %dma_wait3A_588 = arith.constant 0 : i32
      %dma_wait3A_589 = tpu.memref_slice %arg6[%dma_wait3A_585, %dma_wait3A_586, %dma_wait3A_587, %dma_wait3A_588] : memref<4x2x200x64xf32, #tpu.memory_space<vmem>> -> memref<1x1x72x64xf32, #tpu.memory_space<vmem>>
      %dma_wait3A_590 = tpu.memref_squeeze %dma_wait3A_589 : memref<1x1x72x64xf32, #tpu.memory_space<vmem>> -> memref<72x64xf32, #tpu.memory_space<vmem>>
      %dma_wait3A_591 = arith.constant 128 : i32
      %dma_wait3A_592 = tpu.memref_slice %arg5[%dma_wait3A_583, %dma_wait3A_584, %dma_wait3A_591] : memref<3x8x256xi32, #tpu.memory_space<vmem>> -> memref<1x1x72xi32, #tpu.memory_space<vmem>>
      %dma_wait3A_593 = tpu.memref_squeeze %dma_wait3A_592 : memref<1x1x72xi32, #tpu.memory_space<vmem>> -> memref<72xi32, #tpu.memory_space<vmem>>
      %dma_wait3A_594 = arith.constant 0 : i32
      %dma_wait3A_595 = arith.constant 0 : i32
      %dma_wait3A_596 = tpu.memref_slice %arg2[%dma_wait3A_594, %dma_wait3A_595] : memref<1000000x64xf32, #tpu.memory_space<hbm>> -> memref<1000000x64xf32, #tpu.memory_space<hbm>>
      tpu.wait_indirect_dma semaphore(%arg11 : memref<!tpu.dma_semaphore, #tpu.memory_space<semaphore_mem>>) src(%dma_wait3A_596 : memref<1000000x64xf32, #tpu.memory_space<hbm>>) dst(%dma_wait3A_590 : memref<72x64xf32, #tpu.memory_space<vmem>>)
      %dma_wait3A_597 = arith.constant 0 : i32
      %dma_wait3A_598 = arith.constant 1 : i32
      %dma_wait3A_599 = arith.constant 3 : i32
      %dma_wait3A_600 = arith.constant 1 : i32
      %dma_wait3A_601 = arith.constant 0 : i32
      %dma_wait3A_602 = arith.constant 0 : i32
      %dma_wait3A_603 = tpu.memref_slice %arg6[%dma_wait3A_599, %dma_wait3A_600, %dma_wait3A_601, %dma_wait3A_602] : memref<4x2x200x64xf32, #tpu.memory_space<vmem>> -> memref<1x1x128x64xf32, #tpu.memory_space<vmem>>
      %dma_wait3A_604 = tpu.memref_squeeze %dma_wait3A_603 : memref<1x1x128x64xf32, #tpu.memory_space<vmem>> -> memref<128x64xf32, #tpu.memory_space<vmem>>
      %dma_wait3A_605 = arith.constant 0 : i32
      %dma_wait3A_606 = tpu.memref_slice %arg5[%dma_wait3A_597, %dma_wait3A_598, %dma_wait3A_605] : memref<3x8x256xi32, #tpu.memory_space<vmem>> -> memref<1x1x128xi32, #tpu.memory_space<vmem>>
      %dma_wait3A_607 = tpu.memref_squeeze %dma_wait3A_606 : memref<1x1x128xi32, #tpu.memory_space<vmem>> -> memref<128xi32, #tpu.memory_space<vmem>>
      %dma_wait3A_608 = arith.constant 0 : i32
      %dma_wait3A_609 = arith.constant 0 : i32
      %dma_wait3A_610 = tpu.memref_slice %arg2[%dma_wait3A_608, %dma_wait3A_609] : memref<1000000x64xf32, #tpu.memory_space<hbm>> -> memref<1000000x64xf32, #tpu.memory_space<hbm>>
      tpu.wait_indirect_dma semaphore(%arg11 : memref<!tpu.dma_semaphore, #tpu.memory_space<semaphore_mem>>) src(%dma_wait3A_610 : memref<1000000x64xf32, #tpu.memory_space<hbm>>) dst(%dma_wait3A_604 : memref<128x64xf32, #tpu.memory_space<vmem>>)
      %dma_wait3A_611 = arith.constant 0 : i32
      %dma_wait3A_612 = arith.constant 1 : i32
      %dma_wait3A_613 = arith.constant 3 : i32
      %dma_wait3A_614 = arith.constant 1 : i32
      %dma_wait3A_615 = arith.constant 128 : i32
      %dma_wait3A_616 = arith.constant 0 : i32
      %dma_wait3A_617 = tpu.memref_slice %arg6[%dma_wait3A_613, %dma_wait3A_614, %dma_wait3A_615, %dma_wait3A_616] : memref<4x2x200x64xf32, #tpu.memory_space<vmem>> -> memref<1x1x72x64xf32, #tpu.memory_space<vmem>>
      %dma_wait3A_618 = tpu.memref_squeeze %dma_wait3A_617 : memref<1x1x72x64xf32, #tpu.memory_space<vmem>> -> memref<72x64xf32, #tpu.memory_space<vmem>>
      %dma_wait3A_619 = arith.constant 128 : i32
      %dma_wait3A_620 = tpu.memref_slice %arg5[%dma_wait3A_611, %dma_wait3A_612, %dma_wait3A_619] : memref<3x8x256xi32, #tpu.memory_space<vmem>> -> memref<1x1x72xi32, #tpu.memory_space<vmem>>
      %dma_wait3A_621 = tpu.memref_squeeze %dma_wait3A_620 : memref<1x1x72xi32, #tpu.memory_space<vmem>> -> memref<72xi32, #tpu.memory_space<vmem>>
      %dma_wait3A_622 = arith.constant 0 : i32
      %dma_wait3A_623 = arith.constant 0 : i32
      %dma_wait3A_624 = tpu.memref_slice %arg2[%dma_wait3A_622, %dma_wait3A_623] : memref<1000000x64xf32, #tpu.memory_space<hbm>> -> memref<1000000x64xf32, #tpu.memory_space<hbm>>
      tpu.wait_indirect_dma semaphore(%arg11 : memref<!tpu.dma_semaphore, #tpu.memory_space<semaphore_mem>>) src(%dma_wait3A_624 : memref<1000000x64xf32, #tpu.memory_space<hbm>>) dst(%dma_wait3A_618 : memref<72x64xf32, #tpu.memory_space<vmem>>)
      %lt3A_625 = arith.constant 63 : i32
      %lt3A_626 = arith.cmpi slt, %scan3A_201, %lt3A_625 : i32
      %convert_element_type3A_627 = arith.extui %lt3A_626 : i1 to i32
      %cond3A_628 = arith.constant 0 : i32
      %cond3A_629 = arith.cmpi ne, %convert_element_type3A_627, %cond3A_628 : i32
      scf.if %cond3A_629 {
        %dma_wait3A_654 = arith.constant 1 : i32
        %dma_wait3A_655 = arith.constant 0 : i32
        %dma_wait3A_656 = arith.constant 0 : i32
        %dma_wait3A_657 = arith.constant 0 : i32
        %dma_wait3A_658 = tpu.memref_slice %arg6[%dma_wait3A_654, %dma_wait3A_655, %dma_wait3A_656, %dma_wait3A_657] : memref<4x2x200x64xf32, #tpu.memory_space<vmem>> -> memref<1x2x200x64xf32, #tpu.memory_space<vmem>>
        %dma_wait3A_659 = tpu.memref_squeeze %dma_wait3A_658 : memref<1x2x200x64xf32, #tpu.memory_space<vmem>> -> memref<2x200x64xf32, #tpu.memory_space<vmem>>
        %dma_wait3A_660 = arith.constant 0 : i32
        %dma_wait3A_661 = arith.constant 0 : i32
        %dma_wait3A_662 = tpu.memref_slice %arg4[%mul3A_2, %dma_wait3A_660, %dma_wait3A_661] : memref<16384x200x128xf32, #tpu.memory_space<hbm>> -> memref<2x200x64xf32, #tpu.memory_space<hbm>>
        %dma_wait3A_663 = arith.constant 0 : i32
        %dma_wait3A_664 = arith.constant 0 : i32
        %dma_wait3A_665 = tpu.memref_slice %arg4[%mul3A_2, %dma_wait3A_663, %dma_wait3A_664] : memref<16384x200x128xf32, #tpu.memory_space<hbm>> -> memref<2x200x64xf32, #tpu.memory_space<hbm>>
        %dma_wait3A_666 = arith.constant 0 : i32
        %dma_wait3A_667 = arith.constant 0 : i32
        %dma_wait3A_668 = arith.constant 0 : i32
        %dma_wait3A_669 = tpu.memref_slice %arg6[%dma_wait3A_654, %dma_wait3A_666, %dma_wait3A_667, %dma_wait3A_668] : memref<4x2x200x64xf32, #tpu.memory_space<vmem>> -> memref<1x2x200x64xf32, #tpu.memory_space<vmem>>
        %dma_wait3A_670 = tpu.memref_squeeze %dma_wait3A_669 : memref<1x2x200x64xf32, #tpu.memory_space<vmem>> -> memref<2x200x64xf32, #tpu.memory_space<vmem>>
        tpu.wait_dma2 semaphore(%arg13 : memref<!tpu.dma_semaphore, #tpu.memory_space<semaphore_mem>>) src(%dma_wait3A_670 : memref<2x200x64xf32, #tpu.memory_space<vmem>>) dst(%dma_wait3A_665 : memref<2x200x64xf32, #tpu.memory_space<hbm>>)
        %dma_start3A_671 = arith.constant 2 : i32
        %dma_start3A_672 = arith.constant 1 : i32
        %dma_start3A_673 = arith.constant 0 : i32
        %dma_start3A_674 = arith.constant 0 : i32
        %dma_start3A_675 = arith.constant 0 : i32
        %dma_start3A_676 = tpu.memref_slice %arg6[%dma_start3A_672, %dma_start3A_673, %dma_start3A_674, %dma_start3A_675] : memref<4x2x200x64xf32, #tpu.memory_space<vmem>> -> memref<1x1x128x64xf32, #tpu.memory_space<vmem>>
        %dma_start3A_677 = tpu.memref_squeeze %dma_start3A_676 : memref<1x1x128x64xf32, #tpu.memory_space<vmem>> -> memref<128x64xf32, #tpu.memory_space<vmem>>
        %dma_start3A_678 = arith.constant 0 : i32
        %dma_start3A_679 = tpu.memref_slice %arg5[%rem3A_206, %dma_start3A_671, %dma_start3A_678] : memref<3x8x256xi32, #tpu.memory_space<vmem>> -> memref<1x1x128xi32, #tpu.memory_space<vmem>>
        %dma_start3A_680 = tpu.memref_squeeze %dma_start3A_679 : memref<1x1x128xi32, #tpu.memory_space<vmem>> -> memref<128xi32, #tpu.memory_space<vmem>>
        %dma_start3A_681 = arith.constant 0 : i32
        %dma_start3A_682 = arith.constant 0 : i32
        %dma_start3A_683 = tpu.memref_slice %arg2[%dma_start3A_681, %dma_start3A_682] : memref<1000000x64xf32, #tpu.memory_space<hbm>> -> memref<1000000x64xf32, #tpu.memory_space<hbm>>
        tpu.enqueue_indirect_dma source(%dma_start3A_683 : memref<1000000x64xf32, #tpu.memory_space<hbm>>) target(%dma_start3A_677 : memref<128x64xf32, #tpu.memory_space<vmem>>) offsets(%dma_start3A_680 : memref<128xi32, #tpu.memory_space<vmem>>) semaphore(%arg9 : memref<!tpu.dma_semaphore, #tpu.memory_space<semaphore_mem>>)
        %dma_start3A_684 = arith.constant 2 : i32
        %dma_start3A_685 = arith.constant 1 : i32
        %dma_start3A_686 = arith.constant 0 : i32
        %dma_start3A_687 = arith.constant 128 : i32
        %dma_start3A_688 = arith.constant 0 : i32
        %dma_start3A_689 = tpu.memref_slice %arg6[%dma_start3A_685, %dma_start3A_686, %dma_start3A_687, %dma_start3A_688] : memref<4x2x200x64xf32, #tpu.memory_space<vmem>> -> memref<1x1x72x64xf32, #tpu.memory_space<vmem>>
        %dma_start3A_690 = tpu.memref_squeeze %dma_start3A_689 : memref<1x1x72x64xf32, #tpu.memory_space<vmem>> -> memref<72x64xf32, #tpu.memory_space<vmem>>
        %dma_start3A_691 = arith.constant 128 : i32
        %dma_start3A_692 = tpu.memref_slice %arg5[%rem3A_206, %dma_start3A_684, %dma_start3A_691] : memref<3x8x256xi32, #tpu.memory_space<vmem>> -> memref<1x1x72xi32, #tpu.memory_space<vmem>>
        %dma_start3A_693 = tpu.memref_squeeze %dma_start3A_692 : memref<1x1x72xi32, #tpu.memory_space<vmem>> -> memref<72xi32, #tpu.memory_space<vmem>>
        %dma_start3A_694 = arith.constant 0 : i32
        %dma_start3A_695 = arith.constant 0 : i32
        %dma_start3A_696 = tpu.memref_slice %arg2[%dma_start3A_694, %dma_start3A_695] : memref<1000000x64xf32, #tpu.memory_space<hbm>> -> memref<1000000x64xf32, #tpu.memory_space<hbm>>
        tpu.enqueue_indirect_dma source(%dma_start3A_696 : memref<1000000x64xf32, #tpu.memory_space<hbm>>) target(%dma_start3A_690 : memref<72x64xf32, #tpu.memory_space<vmem>>) offsets(%dma_start3A_693 : memref<72xi32, #tpu.memory_space<vmem>>) semaphore(%arg9 : memref<!tpu.dma_semaphore, #tpu.memory_space<semaphore_mem>>)
        %dma_start3A_697 = arith.constant 3 : i32
        %dma_start3A_698 = arith.constant 1 : i32
        %dma_start3A_699 = arith.constant 1 : i32
        %dma_start3A_700 = arith.constant 0 : i32
        %dma_start3A_701 = arith.constant 0 : i32
        %dma_start3A_702 = tpu.memref_slice %arg6[%dma_start3A_698, %dma_start3A_699, %dma_start3A_700, %dma_start3A_701] : memref<4x2x200x64xf32, #tpu.memory_space<vmem>> -> memref<1x1x128x64xf32, #tpu.memory_space<vmem>>
        %dma_start3A_703 = tpu.memref_squeeze %dma_start3A_702 : memref<1x1x128x64xf32, #tpu.memory_space<vmem>> -> memref<128x64xf32, #tpu.memory_space<vmem>>
        %dma_start3A_704 = arith.constant 0 : i32
        %dma_start3A_705 = tpu.memref_slice %arg5[%rem3A_206, %dma_start3A_697, %dma_start3A_704] : memref<3x8x256xi32, #tpu.memory_space<vmem>> -> memref<1x1x128xi32, #tpu.memory_space<vmem>>
        %dma_start3A_706 = tpu.memref_squeeze %dma_start3A_705 : memref<1x1x128xi32, #tpu.memory_space<vmem>> -> memref<128xi32, #tpu.memory_space<vmem>>
        %dma_start3A_707 = arith.constant 0 : i32
        %dma_start3A_708 = arith.constant 0 : i32
        %dma_start3A_709 = tpu.memref_slice %arg2[%dma_start3A_707, %dma_start3A_708] : memref<1000000x64xf32, #tpu.memory_space<hbm>> -> memref<1000000x64xf32, #tpu.memory_space<hbm>>
        tpu.enqueue_indirect_dma source(%dma_start3A_709 : memref<1000000x64xf32, #tpu.memory_space<hbm>>) target(%dma_start3A_703 : memref<128x64xf32, #tpu.memory_space<vmem>>) offsets(%dma_start3A_706 : memref<128xi32, #tpu.memory_space<vmem>>) semaphore(%arg9 : memref<!tpu.dma_semaphore, #tpu.memory_space<semaphore_mem>>)
        %dma_start3A_710 = arith.constant 3 : i32
        %dma_start3A_711 = arith.constant 1 : i32
        %dma_start3A_712 = arith.constant 1 : i32
        %dma_start3A_713 = arith.constant 128 : i32
        %dma_start3A_714 = arith.constant 0 : i32
        %dma_start3A_715 = tpu.memref_slice %arg6[%dma_start3A_711, %dma_start3A_712, %dma_start3A_713, %dma_start3A_714] : memref<4x2x200x64xf32, #tpu.memory_space<vmem>> -> memref<1x1x72x64xf32, #tpu.memory_space<vmem>>
        %dma_start3A_716 = tpu.memref_squeeze %dma_start3A_715 : memref<1x1x72x64xf32, #tpu.memory_space<vmem>> -> memref<72x64xf32, #tpu.memory_space<vmem>>
        %dma_start3A_717 = arith.constant 128 : i32
        %dma_start3A_718 = tpu.memref_slice %arg5[%rem3A_206, %dma_start3A_710, %dma_start3A_717] : memref<3x8x256xi32, #tpu.memory_space<vmem>> -> memref<1x1x72xi32, #tpu.memory_space<vmem>>
        %dma_start3A_719 = tpu.memref_squeeze %dma_start3A_718 : memref<1x1x72xi32, #tpu.memory_space<vmem>> -> memref<72xi32, #tpu.memory_space<vmem>>
        %dma_start3A_720 = arith.constant 0 : i32
        %dma_start3A_721 = arith.constant 0 : i32
        %dma_start3A_722 = tpu.memref_slice %arg2[%dma_start3A_720, %dma_start3A_721] : memref<1000000x64xf32, #tpu.memory_space<hbm>> -> memref<1000000x64xf32, #tpu.memory_space<hbm>>
        tpu.enqueue_indirect_dma source(%dma_start3A_722 : memref<1000000x64xf32, #tpu.memory_space<hbm>>) target(%dma_start3A_716 : memref<72x64xf32, #tpu.memory_space<vmem>>) offsets(%dma_start3A_719 : memref<72xi32, #tpu.memory_space<vmem>>) semaphore(%arg9 : memref<!tpu.dma_semaphore, #tpu.memory_space<semaphore_mem>>)
      } else {
      }
      %mul3A_630 = arith.constant 4 : i32
      %mul3A_631 = arith.muli %mul3A_630, %scan3A_201 : i32
      %add3A_632 = arith.constant 3 : i32
      %add3A_633 = arith.addi %mul3A_631, %add3A_632 : i32
      %mul3A_634 = arith.constant 2 : i32
      %mul3A_635 = arith.muli %add3A_633, %mul3A_634 : i32
      %add3A_636 = arith.addi %mul3A_2, %mul3A_635 : i32
      %dma_start3A_637 = arith.constant 3 : i32
      %dma_start3A_638 = arith.constant 0 : i32
      %dma_start3A_639 = arith.constant 0 : i32
      %dma_start3A_640 = arith.constant 0 : i32
      %dma_start3A_641 = tpu.memref_slice %arg6[%dma_start3A_637, %dma_start3A_638, %dma_start3A_639, %dma_start3A_640] : memref<4x2x200x64xf32, #tpu.memory_space<vmem>> -> memref<1x2x200x64xf32, #tpu.memory_space<vmem>>
      %dma_start3A_642 = tpu.memref_squeeze %dma_start3A_641 : memref<1x2x200x64xf32, #tpu.memory_space<vmem>> -> memref<2x200x64xf32, #tpu.memory_space<vmem>>
      %dma_start3A_643 = arith.constant 0 : i32
      %dma_start3A_644 = arith.constant 0 : i32
      %dma_start3A_645 = tpu.memref_slice %arg4[%add3A_636, %dma_start3A_643, %dma_start3A_644] : memref<16384x200x128xf32, #tpu.memory_space<hbm>> -> memref<2x200x64xf32, #tpu.memory_space<hbm>>
      %dma_start3A_646 = arith.constant 0 : i32
      %dma_start3A_647 = arith.constant 0 : i32
      %dma_start3A_648 = tpu.memref_slice %arg4[%add3A_636, %dma_start3A_646, %dma_start3A_647] : memref<16384x200x128xf32, #tpu.memory_space<hbm>> -> memref<2x200x64xf32, #tpu.memory_space<hbm>>
      %dma_start3A_649 = arith.constant 0 : i32
      %dma_start3A_650 = arith.constant 0 : i32
      %dma_start3A_651 = arith.constant 0 : i32
      %dma_start3A_652 = tpu.memref_slice %arg6[%dma_start3A_637, %dma_start3A_649, %dma_start3A_650, %dma_start3A_651] : memref<4x2x200x64xf32, #tpu.memory_space<vmem>> -> memref<1x2x200x64xf32, #tpu.memory_space<vmem>>
      %dma_start3A_653 = tpu.memref_squeeze %dma_start3A_652 : memref<1x2x200x64xf32, #tpu.memory_space<vmem>> -> memref<2x200x64xf32, #tpu.memory_space<vmem>>
      tpu.enqueue_dma source(%dma_start3A_653 : memref<2x200x64xf32, #tpu.memory_space<vmem>>) target(%dma_start3A_648 : memref<2x200x64xf32, #tpu.memory_space<hbm>>) target_semaphore(%arg15 : memref<!tpu.dma_semaphore, #tpu.memory_space<semaphore_mem>>)
    }
    %scan3A_133 = arith.constant 64 : i32
    %dma_wait3A = arith.constant 0 : i32
    %dma_wait3A_134 = arith.constant 0 : i32
    %dma_wait3A_135 = arith.constant 0 : i32
    %dma_wait3A_136 = arith.constant 0 : i32
    %dma_wait3A_137 = tpu.memref_slice %arg6[%dma_wait3A, %dma_wait3A_134, %dma_wait3A_135, %dma_wait3A_136] : memref<4x2x200x64xf32, #tpu.memory_space<vmem>> -> memref<1x2x200x64xf32, #tpu.memory_space<vmem>>
    %dma_wait3A_138 = tpu.memref_squeeze %dma_wait3A_137 : memref<1x2x200x64xf32, #tpu.memory_space<vmem>> -> memref<2x200x64xf32, #tpu.memory_space<vmem>>
    %dma_wait3A_139 = arith.constant 0 : i32
    %dma_wait3A_140 = arith.constant 0 : i32
    %dma_wait3A_141 = tpu.memref_slice %arg4[%mul3A_2, %dma_wait3A_139, %dma_wait3A_140] : memref<16384x200x128xf32, #tpu.memory_space<hbm>> -> memref<2x200x64xf32, #tpu.memory_space<hbm>>
    %dma_wait3A_142 = arith.constant 0 : i32
    %dma_wait3A_143 = arith.constant 0 : i32
    %dma_wait3A_144 = tpu.memref_slice %arg4[%mul3A_2, %dma_wait3A_142, %dma_wait3A_143] : memref<16384x200x128xf32, #tpu.memory_space<hbm>> -> memref<2x200x64xf32, #tpu.memory_space<hbm>>
    %dma_wait3A_145 = arith.constant 0 : i32
    %dma_wait3A_146 = arith.constant 0 : i32
    %dma_wait3A_147 = arith.constant 0 : i32
    %dma_wait3A_148 = tpu.memref_slice %arg6[%dma_wait3A, %dma_wait3A_145, %dma_wait3A_146, %dma_wait3A_147] : memref<4x2x200x64xf32, #tpu.memory_space<vmem>> -> memref<1x2x200x64xf32, #tpu.memory_space<vmem>>
    %dma_wait3A_149 = tpu.memref_squeeze %dma_wait3A_148 : memref<1x2x200x64xf32, #tpu.memory_space<vmem>> -> memref<2x200x64xf32, #tpu.memory_space<vmem>>
    tpu.wait_dma2 semaphore(%arg12 : memref<!tpu.dma_semaphore, #tpu.memory_space<semaphore_mem>>) src(%dma_wait3A_149 : memref<2x200x64xf32, #tpu.memory_space<vmem>>) dst(%dma_wait3A_144 : memref<2x200x64xf32, #tpu.memory_space<hbm>>)
    %dma_wait3A_150 = arith.constant 1 : i32
    %dma_wait3A_151 = arith.constant 0 : i32
    %dma_wait3A_152 = arith.constant 0 : i32
    %dma_wait3A_153 = arith.constant 0 : i32
    %dma_wait3A_154 = tpu.memref_slice %arg6[%dma_wait3A_150, %dma_wait3A_151, %dma_wait3A_152, %dma_wait3A_153] : memref<4x2x200x64xf32, #tpu.memory_space<vmem>> -> memref<1x2x200x64xf32, #tpu.memory_space<vmem>>
    %dma_wait3A_155 = tpu.memref_squeeze %dma_wait3A_154 : memref<1x2x200x64xf32, #tpu.memory_space<vmem>> -> memref<2x200x64xf32, #tpu.memory_space<vmem>>
    %dma_wait3A_156 = arith.constant 0 : i32
    %dma_wait3A_157 = arith.constant 0 : i32
    %dma_wait3A_158 = tpu.memref_slice %arg4[%mul3A_2, %dma_wait3A_156, %dma_wait3A_157] : memref<16384x200x128xf32, #tpu.memory_space<hbm>> -> memref<2x200x64xf32, #tpu.memory_space<hbm>>
    %dma_wait3A_159 = arith.constant 0 : i32
    %dma_wait3A_160 = arith.constant 0 : i32
    %dma_wait3A_161 = tpu.memref_slice %arg4[%mul3A_2, %dma_wait3A_159, %dma_wait3A_160] : memref<16384x200x128xf32, #tpu.memory_space<hbm>> -> memref<2x200x64xf32, #tpu.memory_space<hbm>>
    %dma_wait3A_162 = arith.constant 0 : i32
    %dma_wait3A_163 = arith.constant 0 : i32
    %dma_wait3A_164 = arith.constant 0 : i32
    %dma_wait3A_165 = tpu.memref_slice %arg6[%dma_wait3A_150, %dma_wait3A_162, %dma_wait3A_163, %dma_wait3A_164] : memref<4x2x200x64xf32, #tpu.memory_space<vmem>> -> memref<1x2x200x64xf32, #tpu.memory_space<vmem>>
    %dma_wait3A_166 = tpu.memref_squeeze %dma_wait3A_165 : memref<1x2x200x64xf32, #tpu.memory_space<vmem>> -> memref<2x200x64xf32, #tpu.memory_space<vmem>>
    tpu.wait_dma2 semaphore(%arg13 : memref<!tpu.dma_semaphore, #tpu.memory_space<semaphore_mem>>) src(%dma_wait3A_166 : memref<2x200x64xf32, #tpu.memory_space<vmem>>) dst(%dma_wait3A_161 : memref<2x200x64xf32, #tpu.memory_space<hbm>>)
    %dma_wait3A_167 = arith.constant 2 : i32
    %dma_wait3A_168 = arith.constant 0 : i32
    %dma_wait3A_169 = arith.constant 0 : i32
    %dma_wait3A_170 = arith.constant 0 : i32
    %dma_wait3A_171 = tpu.memref_slice %arg6[%dma_wait3A_167, %dma_wait3A_168, %dma_wait3A_169, %dma_wait3A_170] : memref<4x2x200x64xf32, #tpu.memory_space<vmem>> -> memref<1x2x200x64xf32, #tpu.memory_space<vmem>>
    %dma_wait3A_172 = tpu.memref_squeeze %dma_wait3A_171 : memref<1x2x200x64xf32, #tpu.memory_space<vmem>> -> memref<2x200x64xf32, #tpu.memory_space<vmem>>
    %dma_wait3A_173 = arith.constant 0 : i32
    %dma_wait3A_174 = arith.constant 0 : i32
    %dma_wait3A_175 = tpu.memref_slice %arg4[%mul3A_2, %dma_wait3A_173, %dma_wait3A_174] : memref<16384x200x128xf32, #tpu.memory_space<hbm>> -> memref<2x200x64xf32, #tpu.memory_space<hbm>>
    %dma_wait3A_176 = arith.constant 0 : i32
    %dma_wait3A_177 = arith.constant 0 : i32
    %dma_wait3A_178 = tpu.memref_slice %arg4[%mul3A_2, %dma_wait3A_176, %dma_wait3A_177] : memref<16384x200x128xf32, #tpu.memory_space<hbm>> -> memref<2x200x64xf32, #tpu.memory_space<hbm>>
    %dma_wait3A_179 = arith.constant 0 : i32
    %dma_wait3A_180 = arith.constant 0 : i32
    %dma_wait3A_181 = arith.constant 0 : i32
    %dma_wait3A_182 = tpu.memref_slice %arg6[%dma_wait3A_167, %dma_wait3A_179, %dma_wait3A_180, %dma_wait3A_181] : memref<4x2x200x64xf32, #tpu.memory_space<vmem>> -> memref<1x2x200x64xf32, #tpu.memory_space<vmem>>
    %dma_wait3A_183 = tpu.memref_squeeze %dma_wait3A_182 : memref<1x2x200x64xf32, #tpu.memory_space<vmem>> -> memref<2x200x64xf32, #tpu.memory_space<vmem>>
    tpu.wait_dma2 semaphore(%arg14 : memref<!tpu.dma_semaphore, #tpu.memory_space<semaphore_mem>>) src(%dma_wait3A_183 : memref<2x200x64xf32, #tpu.memory_space<vmem>>) dst(%dma_wait3A_178 : memref<2x200x64xf32, #tpu.memory_space<hbm>>)
    %dma_wait3A_184 = arith.constant 3 : i32
    %dma_wait3A_185 = arith.constant 0 : i32
    %dma_wait3A_186 = arith.constant 0 : i32
    %dma_wait3A_187 = arith.constant 0 : i32
    %dma_wait3A_188 = tpu.memref_slice %arg6[%dma_wait3A_184, %dma_wait3A_185, %dma_wait3A_186, %dma_wait3A_187] : memref<4x2x200x64xf32, #tpu.memory_space<vmem>> -> memref<1x2x200x64xf32, #tpu.memory_space<vmem>>
    %dma_wait3A_189 = tpu.memref_squeeze %dma_wait3A_188 : memref<1x2x200x64xf32, #tpu.memory_space<vmem>> -> memref<2x200x64xf32, #tpu.memory_space<vmem>>
    %dma_wait3A_190 = arith.constant 0 : i32
    %dma_wait3A_191 = arith.constant 0 : i32
    %dma_wait3A_192 = tpu.memref_slice %arg4[%mul3A_2, %dma_wait3A_190, %dma_wait3A_191] : memref<16384x200x128xf32, #tpu.memory_space<hbm>> -> memref<2x200x64xf32, #tpu.memory_space<hbm>>
    %dma_wait3A_193 = arith.constant 0 : i32
    %dma_wait3A_194 = arith.constant 0 : i32
    %dma_wait3A_195 = tpu.memref_slice %arg4[%mul3A_2, %dma_wait3A_193, %dma_wait3A_194] : memref<16384x200x128xf32, #tpu.memory_space<hbm>> -> memref<2x200x64xf32, #tpu.memory_space<hbm>>
    %dma_wait3A_196 = arith.constant 0 : i32
    %dma_wait3A_197 = arith.constant 0 : i32
    %dma_wait3A_198 = arith.constant 0 : i32
    %dma_wait3A_199 = tpu.memref_slice %arg6[%dma_wait3A_184, %dma_wait3A_196, %dma_wait3A_197, %dma_wait3A_198] : memref<4x2x200x64xf32, #tpu.memory_space<vmem>> -> memref<1x2x200x64xf32, #tpu.memory_space<vmem>>
    %dma_wait3A_200 = tpu.memref_squeeze %dma_wait3A_199 : memref<1x2x200x64xf32, #tpu.memory_space<vmem>> -> memref<2x200x64xf32, #tpu.memory_space<vmem>>
    tpu.wait_dma2 semaphore(%arg15 : memref<!tpu.dma_semaphore, #tpu.memory_space<semaphore_mem>>) src(%dma_wait3A_200 : memref<2x200x64xf32, #tpu.memory_space<vmem>>) dst(%dma_wait3A_195 : memref<2x200x64xf32, #tpu.memory_space<hbm>>)
    return
  }
}

</mosaic_0001>

<sc_bundles>
// kernel: kernel.3.cloned.1.call-start
scs
__scs_entry_jumppad:
0x0: {  	(pc) =	sbr.rel $0x88, $3  }
0x1: {  	(tag) =	ssettag $0x0;
	lr =	simm.s32 $0x1  }
0x2: {  	[smem:$0x3F9F] =	sst lr;
	_ =	strace $0xD0000000  }
0x3: {  	_ = 	snop  }
0x4: {  	_ = 	snop  }
0x5: {  	_ = 	snop  }
0x6: {  	_ = 	snop  }
0x7: {  	_ = 	snop  }
__scs_overlays_trampoline_lowered:
0x8: {  	[smem:$0x3FAE] =	sst s0  }
0x9: {  	[smem:$0x3FAF] =	sst s1  }
0xa: {  	[smem:$0x3FB0] =	sst s2  }
0xb: {  	[smem:$0x3FB1] =	sst s3  }
0xc: {  	[smem:$0x3FB2] =	sst s4  }
0xd: {  	[smem:$0x3FB3] =	sst s5  }
0xe: {  	[smem:$0x3FB4] =	sst s6  }
0xf: {  	[smem:$0x3FB5] =	sst s7  }
0x10: {  	[smem:$0x3FB6] =	sst s8  }
0x11: {  	[smem:$0x3FB7] =	sst s9;
	s0 =	simm.s32 @!p0 $0x0  }
0x12: {  	s1 =	sld [smem:$0x3F9D];
	s0 =	simm.s32 @p0 $0x1  }
0x13: {  	[smem:$0x3FB8] =	sst s0;
	s0 =	simm.s32 @!p1 $0x0  }
0x14: {  	s2 =	sld [smem:$0x3F9C];
	s0 =	simm.s32 @p1 $0x1  }
0x15: {  	[smem:$0x3FB9] =	sst s0;
	s0 =	simm.s32 @!p2 $0x0  }
0x16: {  	s3 =	sld [smem:$0x3FDB];
	s0 =	simm.s32 @p2 $0x1  }
0x17: {  	s4 =	simm.s32 $0x1BF5;
	[smem:$0x3FBB] =	sst s0  }
0x18: {  	s0 =	sld [smem:$0x3F9E];
	_ =	swait.ge [sflag:s4], $0x0  }
0x19: {  	s7 =	sld [smem:$0x3F9F]  }
0x1a: {  	s8 =	sadd.s32 $0xFFFFE003, lr  }
0x1b: {  	s9 =	sadd.s32 $0xFFFFFEF7, lr;
	s5 =	simm.s32 $0xFFFFFFFF;
	p2 =	slt.u32 s8, $0xFFFFF086  }
0x1c: {  	p1 =	slt.u32 s9, $0xF7A;
	s5 =	simm.s32 @!p2 $0x0  }
0x1d: {  	s5 =	simm.s32 @p1 $0x1;
	p0 =	seq.s32 s7, s2  }
0x1e: {  	s7 =	smul.u32 @!p0 $0xF7A, s2;
	p2 =	seq.s32 @!p0 s5, $0x0  }
0x1f: {  	s9 =	smul.u32 $0xF7A, s1;
	s8 =	simm.s32 @!p0 $0x1BF5;
	p2 =	por !p2, p0  }
0x20: {  	[sflag:s8] =	ssyncset.s32 @!p0 $0xFFFFF086;
	s6 =	sadd.s32 @!p0 s3, s7;
	s7 =	simm.s32 @!p0 $0x108  }
0x21: {  	s3 =	sadd.s32 s3, s9;
	s6 =	sadd.s32 @!p0 $0x88, s6;
	s7 =	simm.s32 @p2 $0x1082  }
0x22: {  	[simem:s7], [sflag:s8] =	dma.local @!p0 [hbm:s6], $0xF7A  }
0x23: {  	s9 =	sor.u32 $0xD0000000, s2;
	s6 =	simm.s32 $0x108;
	_ =	swait.ge @!p0 [sflag:s8], $0x0  }
0x24: {  	s3 =	sadd.s32 $0x88, s3;
	s6 =	simm.s32 @!p1 $0x1082;
	[sflag:s4] =	ssyncset.s32 $0xFFFFF086  }
0x25: {  	[simem:s6], [sflag:s4] =	dma.local [hbm:s3], $0xF7A  }
0x26: {  	[smem:$0x3F9F] =	sst s1;
	(tag) =	ssettag s2;
	_ =	strace s9  }
0x27: {  	s1 =	sld [smem:$0x3FAF]  }
0x28: {  	s2 =	sld [smem:$0x3FB0]  }
0x29: {  	s4 =	sld [smem:$0x3FB2]  }
0x2a: {  	p0 =	seq.s32 s5, $0x0;
	s5 =	sld [smem:$0x3FB3]  }
0x2b: {  	s6 =	sld [smem:$0x3FB4]  }
0x2c: {  	s7 =	sld [smem:$0x3FB5]  }
0x2d: {  	s3 =	simm.s32 $0x108;
	s8 =	sld [smem:$0x3FB6]  }
0x2e: {  	s3 =	simm.s32 @!p0 $0x1082;
	s9 =	sld [smem:$0x3FB7]  }
0x2f: {  	lr =	sadd.s32 s0, s3;
	s0 =	sld [smem:$0x3FAE]  }
0x30: {  	s3 =	sld [smem:$0x3FB1]  }
0x31: {  	[smem:$0x3FBA] =	sst s10  }
0x32: {  	s10 =	sld [smem:$0x3FB8];
	_ =	sdelay $0x3  }
0x33: {  	p0 =	seq.s32 s10, $0x1;
	s10 =	sld [smem:$0x3FBA];
	_ =	sdelay $0x3  }
0x34: {  	[smem:$0x3FBA] =	sst s10  }
0x35: {  	s10 =	sld [smem:$0x3FB9];
	_ =	sdelay $0x3  }
0x36: {  	p1 =	seq.s32 s10, $0x1;
	s10 =	sld [smem:$0x3FBA];
	_ =	sdelay $0x3  }
0x37: {  	[smem:$0x3FBA] =	sst s10  }
0x38: {  	s10 =	sld [smem:$0x3FBB]  }
0x39: {  	_ = 	snop;
	(pc) =	sbr.ind lr, $3  }
0x3a: {  	_ = 	snop  }
0x3b: {  	_ = 	snop  }
0x3c: {  	p2 =	seq.s32 s10, $0x1;
	s10 =	sld [smem:$0x3FBA]  }
0x3d: {  	_ =	shalt  }
0x3e: {  	_ =	shalt  }
0x3f: {  	_ =	shalt  }
0x40: {  	_ =	shalt  }
0x41: {  	_ =	shalt  }
0x42: {  	_ =	shalt  }
0x43: {  	_ =	shalt  }
0x44: {  	_ =	shalt  }
0x45: {  	_ =	shalt  }
0x46: {  	_ =	shalt  }
0x47: {  	_ =	shalt  }
0x48: {  	_ =	shalt  }
0x49: {  	_ =	shalt  }
0x4a: {  	_ =	shalt  }
0x4b: {  	_ =	shalt  }
0x4c: {  	_ =	shalt  }
0x4d: {  	_ =	shalt  }
0x4e: {  	_ =	shalt  }
0x4f: {  	_ =	shalt  }
0x50: {  	_ =	shalt  }
0x51: {  	_ =	shalt  }
0x52: {  	_ =	shalt  }
0x53: {  	_ =	shalt  }
0x54: {  	_ =	shalt  }
0x55: {  	_ =	shalt  }
0x56: {  	_ =	shalt  }
0x57: {  	_ =	shalt  }
0x58: {  	_ =	shalt  }
0x59: {  	_ =	shalt  }
0x5a: {  	_ =	shalt  }
0x5b: {  	_ =	shalt  }
0x5c: {  	_ =	shalt  }
0x5d: {  	_ =	shalt  }
0x5e: {  	_ =	shalt  }
0x5f: {  	_ =	shalt  }
0x60: {  	_ =	shalt  }
0x61: {  	_ =	shalt  }
0x62: {  	_ =	shalt  }
0x63: {  	_ =	shalt  }
0x64: {  	_ =	shalt  }
0x65: {  	_ =	shalt  }
0x66: {  	_ =	shalt  }
0x67: {  	_ =	shalt  }
0x68: {  	_ =	shalt  }
0x69: {  	_ =	shalt  }
0x6a: {  	_ =	shalt  }
0x6b: {  	_ =	shalt  }
0x6c: {  	_ =	shalt  }
0x6d: {  	_ =	shalt  }
0x6e: {  	_ =	shalt  }
0x6f: {  	_ =	shalt  }
0x70: {  	_ =	shalt  }
0x71: {  	_ =	shalt  }
0x72: {  	_ =	shalt  }
0x73: {  	_ =	shalt  }
0x74: {  	_ =	shalt  }
0x75: {  	_ =	shalt  }
0x76: {  	_ =	shalt  }
0x77: {  	_ =	shalt  }
0x78: {  	_ =	shalt  }
0x79: {  	_ =	shalt  }
0x7a: {  	_ =	shalt  }
0x7b: {  	_ =	shalt  }
0x7c: {  	_ =	shalt  }
0x7d: {  	_ =	shalt  }
0x7e: {  	_ =	shalt  }
0x7f: {  	_ =	shalt  }
0x80: {  	_ =	shalt  }
0x81: {  	_ =	shalt  }
0x82: {  	_ =	shalt  }
0x83: {  	_ =	shalt  }
0x84: {  	_ =	shalt  }
0x85: {  	_ =	shalt  }
0x86: {  	_ =	shalt  }
0x87: {  	_ =	shalt  }
.Lfunc_end0:
.L_simem_size_0:
called_computation.1_lowered:
.L_overlay_start_0:
0x88: {  	s2 =	sld [smem:$0x3FD9]  }
0x89: {  	s3 =	sld [smem:$0x3FFE];
	_ =	sdelay $0x1  }
0x8a: {  	s1 =	srdreg.scid  }
0x8b: {  	s0 =	sand.u32 $0x1, s1  }
0x8c: {  	s16 =	sshll.u32 s0, $0xA;
	s2 =	sadd.s32 s3, s2  }
0x8d: {  	s2 =	sadd.s32 s2, s16  }
0x8e: {  	[smem:$0x3FC6] =	sst s2  }
0x8f: {  	_ = 	snop  }
0x90: {  	(tm) =	ssettm $0x1  }
0x91: {  	s17 =	sld [smem:$0x3FFB];
	_ =	sdelay $0x3  }
0x92: {  	_ =	strace s17  }
0x93: {  	s2 =	sld [smem:$0x3FFC];
	_ =	sdelay $0x3  }
0x94: {  	_ =	strace s2  }
0x95: {  	s2 =	sld [smem:$0x3FFD];
	_ =	sdelay $0x3  }
0x96: {  	_ =	strace s2  }
0x97: {  	_ =	strace $0x8FFFFFFF  }
0x98: {  	s18 =	sld [smem:$0x3FDB];
	_ =	sdelay $0x1  }
0x99: {  	s19 =	simm.s32 $_scs_section_size  }
0x9a: {  	s4 =	simm.s32 $_size__tile_overlayer_lowered;
	s5 =	simm.s32 $_tile_overlayer_lowered  }
0x9b: {  	s22 =	simm.s32 $0x1BFF;
	s21 =	sshll.u32 s5, $0x1;
	s2 =	sadd.s32 s19, s18  }
0x9c: {  	s6 =	simm.s32 $0x0;
	s20 =	sshll.u32 s4, $0x1;
	s4 =	sadd.s32 s21, s2  }
0x9d: {  	[timem:s6], [sflag:s22] =	dma.local [hbm:s4], s20  }
0x9e: {  	_ =	swait.ge [sflag:s22], s20  }
0x9f: {  	s3 =	ssub.s32 $0x0, s20;
	[sflag:s22] =	ssyncset.done $0x0  }
0xa0: {  	[sflag:s22] =	ssyncadd.s32 s3;
	_ =	sdelay $0x1  }
0xa1: {  	s23 =	simm.s32 $0x1B8B  }
0xa2: {  	_ =	swait.ge [sflag:s23], $0x1  }
0xa3: {  	[sflag:s23] =	ssyncset.done $0x0  }
0xa4: {  	s25 =	simm.s32 $0x1B8E;
	s24 =	sld [smem:$0x3FFE];
	[sflag:s23] =	ssyncadd.s32 $0xFFFFFFFF  }
0xa5: {  	s26 =	simm.s32 $execute0_lowered;
	[smem:$0x3FD2] =	sst s25  }
0xa6: {  	s4 =	sshll.u32 s26, $0x1;
	_ =	strace $0x80000046;
	[dreg:$0x1] =	wrdreg $0xFFFFFFFF  }
0xa7: {  	s28 =	simm.s32 $_size_execute0_lowered;
	s2 =	sadd.s32 s2, s4;
	[dreg:$0x0] =	wrdreg $0x0  }
0xa8: {  	s4 =	sshll.u32 s28, $0x1;
	[dreg:$0x2] =	wrdreg s2  }
0xa9: {  	[dreg:$0x3] =	wrdreg s4  }
0xaa: {  	[dreg:$0x4] =	wrdreg $0xC0  }
0xab: {  	_ =	task [dreg:s6], $0x5FFFF  }
0xac: {  	[dreg:$0x1] =	wrdreg $0xFFFFFFFF  }
0xad: {  	[dreg:$0x0] =	wrdreg $0x60  }
0xae: {  	[dreg:$0x2] =	wrdreg s24  }
0xaf: {  	[dreg:$0x3] =	wrdreg $0x9  }
0xb0: {  	_ =	task.clear_ibuf [dreg:s6], $0x4FFFF;
	_ =	strace $0x90000046  }
0xb1: {  	s29 =	simm.s32 $0x9;
	_ =	strace $0x80000048  }
0xb2: {  	_ =	swait.ge [sflag:s29], $0x1  }
0xb3: {  	[sflag:s29] =	ssyncadd.s32 $0xFFFFFFFF  }
0xb4: {  	_ =	strace $0x90000048  }
0xb5: {  	_ =	sfence  }
0xb6: {  	s30 =	sld [smem:$0x0];
	_ =	sdelay $0x2  }
0xb7: {  	s31 =	sshll.u32 s1, $0xD;
	s1 =	sshrl.u32 s1, $0x2  }
0xb8: {  	s3 =	sand.u32 $0x4000, s31;
	s1 =	sadd.s32 s1, s30  }
0xb9: {  	s0 =	sor.u32 s3, s0;
	s1 =	sshll.u32 s1, $0x11  }
0xba: {  	s0 =	sor.u32 s1, s0  }
0xbb: {  	s0 =	sadd.s32 $0x8F2B, s0  }
0xbc: {  	[sflag:s0] =	ssyncadd.remote.s32 $0x1  }
0xbd: {  	_ =	sfence.sel $0xFFFF  }
0xbe: {  	[dreg:$0x0] =	wrdreg $0xFFFFFFFF;
	(pc) =	sbr.abs _section_cstart, $3  }
0xbf: {  	[dreg:$0x1] =	wrdreg $0xFFFFFFFF  }
0xc0: {  	_ =	task.clear_ibuf [dreg:s6], $0x2FFFF;
	_ =	strace $0x9FFFFFFF  }
0xc1: {  	(tm) =	ssettm $0x7FFFFFFF  }
tec
execute0_lowered:
.L_overlay_start_1:
0x0: {  	(tag) =	ssettag $0x1  }
0x1: {  	s0 =	rddreg [dreg:$0x0];
	s1 =	simm.s32 $0x0;
	s16 =	srdreg.scid  }
0x2: {  	s7 =	stileid.u32;
	s10 =	simm.s32 $0x80;
	s11 =	simm.s32 $0x1800  }
0x3: {  	s12 =	simm.s32 $0x48;
	s20 =	simm.s32 $0x10000;
	s21 =	simm.s32 $0x11200  }
0x4: {  	s22 =	simm.s32 $0x13200;
	s24 =	simm.s32 $0x16400;
	s25 =	simm.s32 $0x17600  }
0x5: {  	s26 =	simm.s32 $0x19600;
	s28 =	simm.s32 $0xE000;
	s29 =	simm.s32 $0x40  }
0x6: {  	s30 =	simm.s32 $0x3;
	s31 =	simm.s32 $0x14400;
	[smem:$0x7FF] =	sst s1  }
0x7: {  	s1 =	sand.u32 $0x1, s16;
	_ =	strace $0x80000047;
	[dreg:$0x3] =	wrdreg s20  }
0x8: {  	s3 =	sadd.s32 $0x80800, s0;
	s4 =	sadd.s32 $0x800, s0;
	[dreg:$0x4] =	wrdreg s21  }
0x9: {  	s5 =	smul.u32 $0x320000, s7;
	s7 =	sshll.u32 s7, $0xF;
	[dreg:$0x5] =	wrdreg s22  }
0xa: {  	s16 =	simm.s32 $0x0;
	s2 =	ssub.s32 $0x2, s1;
	[dreg:$0x6] =	wrdreg s24  }
0xb: {  	s8 =	sshll.u32 s1, $0xE;
	s1 =	smul.u32 $0x190000, s1;
	[dreg:$0x7] =	wrdreg s25  }
0xc: {  	[dreg:$0x8] =	wrdreg s26;
	s6 =	sshrl.u32 s2, $0x1;
	s17 =	sor.u32 s8, s7  }
0xd: {  	s0 =	sadd.s32 s5, s0;
	s2 =	ssub.s32 s2, s6;
	s5 =	sadd.s32 s4, s17  }
0xe: {  	s4 =	sadd.s32 s7, s4;
	[dreg:$0x9] =	wrdreg s5;
	s18 =	sadd.s32 $0x100, s5  }
0xf: {  	s0 =	sadd.s32 s1, s0;
	s2 =	smax.u32 s2, $0x1;
	[dreg:$0xa] =	wrdreg s18  }
0x10: {  	s19 =	sadd.s32 s8, s4;
	s0 =	sadd.s32 $0x821A00, s0;
	[dreg:$0xb] =	wrdreg s2  }
0x11: {  	s26 =	simm.s32 $0x2;
	s23 =	sadd.s32 $0x200, s19;
	[dreg:$0x2] =	wrdreg s0  }
0x12: {  	s19 =	simm.s32 $0x7C00;
	s0 =	simm.s32 $0x4;
	s2 =	simm.s32 $0x5  }
.LBB2_1:
0x13: {  	s1 =	simm.s32 $0x0;
	s4 =	rddreg [dreg:$0x9];
	s22 =	simm.s32 $0xA  }
0x14: {  	[tilespmem:s1], [sflag:$0xA] =	stream.linear.gather [hbm4b:s4+s1], $0x800, $0x38;
	[tilespmem:$0x1A800] =	vst v63  }
0x15: {  	_ =	swait.ge [sflag:s22], $0x800  }
0x16: {  	[sflag:s22] =	ssyncset.done $0x0  }
0x17: {  	s5 =	simm.s32 $0x800;
	s24 =	rddreg [dreg:$0xa];
	[sflag:s22] =	ssyncadd.s32 $0xFFFFF800  }
0x18: {  	[tilespmem:s5], [sflag:$0x1] =	stream.linear.gather [hbm4b:s24+s1], $0x800, $0x38;
	[tilespmem:$0x1A800] =	vst v63  }
0x19: {  	_ = 	snop  }
0x1a: {  	[tilespmem:s11], [sflag:$0x2] =	stream.indirect.gather [hbm4b:s3+s10], $0x40, s1, s10, $0xb8;
	[tilespmem:$0x1A800] =	vst v63  }
0x1b: {  	s25 =	simm.s32 $0x3800;
	p0 =	por $0x0, $0x0  }
0x1c: {  	[tilespmem:s25], [sflag:$0x2] =	stream.indirect.gather [hbm4b:s3+s12], $0x40, s10, s12, $0xb8;
	[tilespmem:$0x1A800] =	vst v63  }
0x1d: {  	s4 =	simm.s32 $0x100;
	s5 =	simm.s32 $0x4A00;
	s1 =	smul.u32 @!p0 $0xAB, s26  }
0x1e: {  	[tilespmem:s5], [sflag:$0x2] =	stream.indirect.gather [hbm4b:s3+s10], $0x40, s4, s10, $0xb8;
	[tilespmem:$0x1A800] =	vst v63  }
0x1f: {  	s6 =	simm.s32 $0x180;
	s7 =	simm.s32 $0x6A00;
	s1 =	sshrl.u32 @!p0 s1, $0x9  }
0x20: {  	[tilespmem:s7], [sflag:$0x2] =	stream.indirect.gather [hbm4b:s3+s12], $0x40, s6, s12, $0xb8;
	[tilespmem:$0x1A800] =	vst v63  }
0x21: {  	s8 =	simm.s32 $0x200;
	s1 =	sand.u32 @!p0 $0x7F, s1  }
0x22: {  	[tilespmem:s19], [sflag:$0x3] =	stream.indirect.gather [hbm4b:s3+s10], $0x40, s8, s10, $0xb8;
	[tilespmem:$0x1A800] =	vst v63  }
0x23: {  	s9 =	simm.s32 $0x280;
	s13 =	simm.s32 $0x9C00;
	s1 =	smul.u32 @!p0 $0x3, s1  }
0x24: {  	[tilespmem:s13], [sflag:$0x3] =	stream.indirect.gather [hbm4b:s3+s12], $0x40, s9, s12, $0xb8;
	[tilespmem:$0x1A800] =	vst v63  }
0x25: {  	s14 =	simm.s32 $0x300;
	s15 =	simm.s32 $0xAE00;
	s1 =	ssub.s32 @!p0 $0x2, s1  }
0x26: {  	[tilespmem:s15], [sflag:$0x3] =	stream.indirect.gather [hbm4b:s3+s10], $0x40, s14, s10, $0xb8;
	[tilespmem:$0x1A800] =	vst v63  }
0x27: {  	s17 =	simm.s32 $0x380;
	s18 =	simm.s32 $0xCE00;
	s1 =	sand.u32 @!p0 $0xFF, s1  }
0x28: {  	[tilespmem:s18], [sflag:$0x3] =	stream.indirect.gather [hbm4b:s3+s12], $0x40, s17, s12, $0xb8;
	[tilespmem:$0x1A800] =	vst v63  }
0x29: {  	s4 =	simm.s32 @!p0 $0x0;
	s1 =	sshll.u32 @!p0 s1, $0xB  }
0x2a: {  	[tilespmem:s1], [sflag:$0x1] =	stream.linear.gather @!p0 [hbm4b:s23+s4], $0x800, $0x38;
	[tilespmem:$0x1A800] =	vst v63  }
0x2b: {  	_ =	swait.ge [sflag:s26], $0x2000  }
0x2c: {  	[sflag:s26] =	ssyncset.done $0x0  }
0x2d: {  	[sflag:s26] =	ssyncadd.s32 $0xFFFFE000  }
0x2e: {  	_ =	swait.ge [sflag:s26], $0x1200  }
0x2f: {  	s1 =	smul.u32 $0xAB, s26;
	[sflag:s26] =	ssyncset.done $0x0  }
0x30: {  	[sflag:s26] =	ssyncadd.s32 $0xFFFFEE00  }
0x31: {  	s20 =	sadd.s32 $0xFFFFFEAA, s1;
	_ =	swait.ge [sflag:s26], $0x2000  }
0x32: {  	s4 =	sshrl.u32 s20, $0x9;
	[sflag:s26] =	ssyncset.done $0x0  }
0x33: {  	s4 =	sand.u32 $0x7F, s4;
	[sflag:s26] =	ssyncadd.s32 $0xFFFFE000  }
0x34: {  	s4 =	smul.u32 $0x3, s4;
	_ =	swait.ge [sflag:s26], $0x1200  }
0x35: {  	p0 =	por $0x1, $0x1;
	[sflag:s26] =	ssyncset.done $0x0  }
0x36: {  	s5 =	simm.s32 @!p0 $0x8;
	s4 =	ssub.s32 $0x0, s4;
	[sflag:s26] =	ssyncadd.s32 $0xFFFFEE00  }
0x37: {  	s4 =	sand.u32 $0xFF, s4;
	_ =	swait.ge @!p0 [sflag:s5], $0x6400  }
0x38: {  	s4 =	sshll.u32 s4, $0xB;
	[sflag:s5] =	ssyncset.done @!p0 $0x0  }
0x39: {  	s21 =	sor.u32 $0x400, s4;
	s6 =	rddreg [dreg:$0x2];
	[sflag:s5] =	ssyncadd.s32 @!p0 $0xFFFF9C00  }
0x3a: {  	[tilespmem:s28], [sflag:$0x4] =	stream.indirect.gather [hbm4b:s3+s10], $0x40, s21, s10, $0xb8;
	[tilespmem:$0x1A800] =	vst v63  }
0x3b: {  	s22 =	sor.u32 $0x480, s4;
	s7 =	rddreg [dreg:$0x3]  }
0x3c: {  	[tilespmem:s7], [sflag:$0x4] =	stream.indirect.gather [hbm4b:s3+s12], $0x40, s22, s12, $0xb8;
	[tilespmem:$0x1A800] =	vst v63  }
0x3d: {  	s24 =	sor.u32 $0x500, s4;
	s8 =	rddreg [dreg:$0x4]  }
0x3e: {  	[tilespmem:s8], [sflag:$0x4] =	stream.indirect.gather [hbm4b:s3+s10], $0x40, s24, s10, $0xb8;
	[tilespmem:$0x1A800] =	vst v63  }
0x3f: {  	s25 =	rddreg [dreg:$0x5];
	s8 =	sor.u32 $0x580, s4  }
0x40: {  	[tilespmem:s25], [sflag:$0x4] =	stream.indirect.gather [hbm4b:s3+s12], $0x40, s8, s12, $0xb8;
	[tilespmem:$0x1A800] =	vst v63  }
0x41: {  	s18 =	sadd.s32 $0x0, s6  }
0x42: {  	[hbm4b:s18+s29] =	stream.strided.scatter [tilespmem:s11], [sflag:$0x6], $0x6400, s10, s29, $0x38;
	[tilespmem:$0x1A800] =	vst v63  }
0x43: {  	_ =	swait.ge [sflag:s30], $0x2000  }
0x44: {  	[sflag:s30] =	ssyncset.done $0x0  }
0x45: {  	[sflag:s30] =	ssyncadd.s32 $0xFFFFE000  }
0x46: {  	_ =	swait.ge [sflag:s30], $0x1200  }
0x47: {  	[sflag:s30] =	ssyncset.done $0x0  }
0x48: {  	[sflag:s30] =	ssyncadd.s32 $0xFFFFEE00  }
0x49: {  	_ =	swait.ge [sflag:s30], $0x2000  }
0x4a: {  	[sflag:s30] =	ssyncset.done $0x0  }
0x4b: {  	[sflag:s30] =	ssyncadd.s32 $0xFFFFE000  }
0x4c: {  	_ =	swait.ge [sflag:s30], $0x1200  }
0x4d: {  	[sflag:s30] =	ssyncset.done $0x0  }
0x4e: {  	s5 =	simm.s32 @!p0 $0x9;
	[sflag:s30] =	ssyncadd.s32 $0xFFFFEE00  }
0x4f: {  	_ =	swait.ge @!p0 [sflag:s5], $0x6400  }
0x50: {  	[sflag:s5] =	ssyncset.done @!p0 $0x0  }
0x51: {  	s9 =	sadd.s32 $0x600, s4;
	[sflag:s5] =	ssyncadd.s32 @!p0 $0xFFFF9C00  }
0x52: {  	[tilespmem:s31], [sflag:$0x5] =	stream.indirect.gather [hbm4b:s3+s10], $0x40, s9, s10, $0xb8;
	[tilespmem:$0x1A800] =	vst v63  }
0x53: {  	s14 =	sadd.s32 $0x680, s4;
	s13 =	rddreg [dreg:$0x6]  }
0x54: {  	[tilespmem:s13], [sflag:$0x5] =	stream.indirect.gather [hbm4b:s3+s12], $0x40, s14, s12, $0xb8;
	[tilespmem:$0x1A800] =	vst v63  }
0x55: {  	s17 =	sadd.s32 $0x700, s4;
	s15 =	rddreg [dreg:$0x7]  }
0x56: {  	[tilespmem:s15], [sflag:$0x5] =	stream.indirect.gather [hbm4b:s3+s10], $0x40, s17, s10, $0xb8;
	[tilespmem:$0x1A800] =	vst v63  }
0x57: {  	s4 =	sadd.s32 $0x780, s4;
	s20 =	rddreg [dreg:$0x8]  }
0x58: {  	[tilespmem:s20], [sflag:$0x5] =	stream.indirect.gather [hbm4b:s3+s12], $0x40, s4, s12, $0xb8;
	[tilespmem:$0x1A800] =	vst v63  }
0x59: {  	s21 =	sadd.s32 $0x1900, s18  }
0x5a: {  	[hbm4b:s21+s29] =	stream.strided.scatter [tilespmem:s19], [sflag:$0x7], $0x6400, s10, s29, $0x38;
	[tilespmem:$0x1A800] =	vst v63  }
0x5b: {  	_ =	swait.ge [sflag:s0], $0x2000  }
0x5c: {  	[sflag:s0] =	ssyncset.done $0x0  }
0x5d: {  	[sflag:s0] =	ssyncadd.s32 $0xFFFFE000  }
0x5e: {  	_ =	swait.ge [sflag:s0], $0x1200  }
0x5f: {  	[sflag:s0] =	ssyncset.done $0x0  }
0x60: {  	[sflag:s0] =	ssyncadd.s32 $0xFFFFEE00  }
0x61: {  	_ =	swait.ge [sflag:s0], $0x2000  }
0x62: {  	[sflag:s0] =	ssyncset.done $0x0  }
0x63: {  	s1 =	sadd.s32 $0xFFFFFF55, s1;
	[sflag:s0] =	ssyncadd.s32 $0xFFFFE000  }
0x64: {  	s1 =	sshrl.u32 s1, $0x9;
	_ =	swait.ge [sflag:s0], $0x1200  }
0x65: {  	p1 =	por $0x0, $0x0;
	s1 =	sand.u32 $0x7F, s1;
	[sflag:s0] =	ssyncset.done $0x0  }
0x66: {  	s1 =	smul.u32 $0x3, s1;
	s4 =	simm.s32 @!p1 $0x1;
	[sflag:s0] =	ssyncadd.s32 $0xFFFFEE00  }
0x67: {  	_ =	swait.ge @!p1 [sflag:s4], $0x800  }
0x68: {  	s1 =	sxor.u32 $0xFFFFFFFF, s1;
	[sflag:s4] =	ssyncset.done @!p1 $0x0  }
0x69: {  	s1 =	sadd.s32 $0x2, s1;
	[sflag:s4] =	ssyncadd.s32 @!p1 $0xFFFFF800;
	s4 =	simm.s32 @!p1 $0x6  }
0x6a: {  	s1 =	sand.u32 $0xFF, s1;
	_ =	swait.ge @!p1 [sflag:s4], $0x6400  }
0x6b: {  	s25 =	sshll.u32 @!p1 s1, $0xB;
	[sflag:s4] =	ssyncset.done @!p1 $0x0  }
0x6c: {  	s5 =	simm.s32 @!p1 $0x1800;
	[sflag:s4] =	ssyncadd.s32 @!p1 $0xFFFF9C00;
	s4 =	simm.s32 @!p1 $0x80  }
0x6d: {  	[tilespmem:s5], [sflag:$0x2] =	stream.indirect.gather @!p1 [hbm4b:s3+s4], $0x40, s25, s4, $0xb8;
	[tilespmem:$0x1A800] =	vst v63  }
0x6e: {  	s6 =	simm.s32 @!p1 $0x48;
	s1 =	simm.s32 @!p1 $0x3800;
	s5 =	sor.u32 @!p1 $0x80, s25  }
0x6f: {  	[tilespmem:s1], [sflag:$0x2] =	stream.indirect.gather @!p1 [hbm4b:s3+s6], $0x40, s5, s6, $0xb8;
	[tilespmem:$0x1A800] =	vst v63  }
0x70: {  	s1 =	sor.u32 @!p1 $0x100, s25;
	s5 =	simm.s32 @!p1 $0x4A00  }
0x71: {  	[tilespmem:s5], [sflag:$0x2] =	stream.indirect.gather @!p1 [hbm4b:s3+s4], $0x40, s1, s4, $0xb8;
	[tilespmem:$0x1A800] =	vst v63  }
0x72: {  	s1 =	sor.u32 @!p1 $0x180, s25;
	s5 =	simm.s32 @!p1 $0x6A00  }
0x73: {  	[tilespmem:s5], [sflag:$0x2] =	stream.indirect.gather @!p1 [hbm4b:s3+s6], $0x40, s1, s6, $0xb8;
	[tilespmem:$0x1A800] =	vst v63  }
0x74: {  	s22 =	sadd.s32 $0x3200, s18  }
0x75: {  	[hbm4b:s22+s29] =	stream.strided.scatter [tilespmem:s28], [sflag:$0x8], $0x6400, s10, s29, $0x38;
	[tilespmem:$0x1A800] =	vst v63  }
0x76: {  	_ =	swait.ge [sflag:s2], $0x2000  }
0x77: {  	[sflag:s2] =	ssyncset.done $0x0  }
0x78: {  	s20 =	simm.s32 $0x3;
	[sflag:s2] =	ssyncadd.s32 $0xFFFFE000  }
0x79: {  	s24 =	smul.u32 $0xAB, s20;
	_ =	swait.ge [sflag:s2], $0x1200  }
0x7a: {  	[sflag:s2] =	ssyncset.done $0x0  }
0x7b: {  	p2 =	por $0x0, $0x0;
	s9 =	sadd.s32 $0xFFFFFEAA, s24;
	[sflag:s2] =	ssyncadd.s32 $0xFFFFEE00  }
0x7c: {  	s7 =	simm.s32 @!p1 $0x7;
	s9 =	sshrl.u32 s9, $0x9;
	_ =	swait.ge [sflag:s2], $0x2000  }
0x7d: {  	s8 =	simm.s32 @!p1 $0x7C00;
	s9 =	sand.u32 $0x7F, s9;
	[sflag:s2] =	ssyncset.done $0x0  }
0x7e: {  	s17 =	simm.s32 $0x6400;
	s9 =	smul.u32 $0x3, s9;
	[sflag:s2] =	ssyncadd.s32 $0xFFFFE000  }
0x7f: {  	s21 =	simm.s32 $0xC800;
	s5 =	sadd.s32 $0xFFFFFF55, s24;
	_ =	swait.ge [sflag:s2], $0x1200  }
0x80: {  	s9 =	ssub.s32 $0x1, s9;
	s5 =	sshrl.u32 s5, $0x9;
	[sflag:s2] =	ssyncset.done $0x0  }
0x81: {  	s9 =	sand.u32 $0xFF, s9;
	s5 =	sand.u32 $0x7F, s5;
	[sflag:s2] =	ssyncadd.s32 $0xFFFFEE00  }
0x82: {  	s1 =	simm.s32 @!p1 $0x9C00;
	s5 =	smul.u32 $0x3, s5;
	_ =	swait.ge @!p1 [sflag:s7], $0x6400  }
0x83: {  	s24 =	sshll.u32 s9, $0xB;
	s22 =	sor.u32 @!p1 $0x200, s25;
	[sflag:s7] =	ssyncset.done @!p1 $0x0  }
0x84: {  	s5 =	sxor.u32 $0xFFFFFFFF, s5;
	[sflag:s7] =	ssyncadd.s32 @!p1 $0xFFFF9C00;
	s7 =	smul.u32 @!p2 $0xAB, s20  }
0x85: {  	[tilespmem:s8], [sflag:$0x3] =	stream.indirect.gather @!p1 [hbm4b:s3+s4], $0x40, s22, s4, $0xb8;
	[tilespmem:$0x1A800] =	vst v63  }
0x86: {  	s5 =	sadd.s32 $0x3, s5;
	s8 =	sor.u32 @!p1 $0x280, s25;
	s7 =	sshrl.u32 @!p2 s7, $0x9  }
0x87: {  	s22 =	sand.u32 $0xFF, s5;
	s9 =	sand.u32 @!p2 $0x7F, s7;
	s7 =	smov.u32 s23  }
.LBB2_2:
0x88: {  	[tilespmem:s1], [sflag:$0x3] =	stream.indirect.gather @!p1 [hbm4b:s3+s6], $0x40, s8, s6, $0xb8;
	[tilespmem:$0x1A800] =	vst v63  }
0x89: {  	s1 =	smul.u32 @!p2 $0x3, s9;
	s8 =	sor.u32 @!p1 $0x300, s25;
	s9 =	simm.s32 @!p1 $0xAE00  }
0x8a: {  	[tilespmem:s9], [sflag:$0x3] =	stream.indirect.gather @!p1 [hbm4b:s3+s4], $0x40, s8, s4, $0xb8;
	[tilespmem:$0x1A800] =	vst v63  }
0x8b: {  	s1 =	ssub.s32 @!p2 s20, s1;
	s4 =	sor.u32 @!p1 $0x380, s25;
	s8 =	simm.s32 @!p1 $0xCE00  }
0x8c: {  	[tilespmem:s8], [sflag:$0x3] =	stream.indirect.gather @!p1 [hbm4b:s3+s6], $0x40, s4, s6, $0xb8;
	[tilespmem:$0x1A800] =	vst v63  }
0x8d: {  	s1 =	sand.u32 @!p2 $0xFF, s1;
	s6 =	sadd.s32 $0x4B00, s18  }
0x8e: {  	[hbm4b:s6+s29] =	stream.strided.scatter [tilespmem:s31], [sflag:$0x9], $0x6400, s10, s29, $0x38;
	[tilespmem:$0x1A800] =	vst v63  }
0x8f: {  	s7 =	sadd.s32 $0x100, s7;
	s1 =	sshll.u32 @!p2 s1, $0xB;
	s4 =	simm.s32 @!p2 $0x0  }
0x90: {  	[tilespmem:s1], [sflag:$0x1] =	stream.linear.gather @!p2 [hbm4b:s7+s4], $0x800, $0x38;
	[tilespmem:$0x1A800] =	vst v63  }
0x91: {  	_ =	swait.ge [sflag:s26], $0x2000  }
0x92: {  	[sflag:s26] =	ssyncset.done $0x0  }
0x93: {  	[sflag:s26] =	ssyncadd.s32 $0xFFFFE000  }
0x94: {  	_ =	swait.ge [sflag:s26], $0x1200  }
0x95: {  	[sflag:s26] =	ssyncset.done $0x0  }
0x96: {  	[sflag:s26] =	ssyncadd.s32 $0xFFFFEE00  }
0x97: {  	_ =	swait.ge [sflag:s26], $0x2000  }
0x98: {  	[sflag:s26] =	ssyncset.done $0x0  }
0x99: {  	[sflag:s26] =	ssyncadd.s32 $0xFFFFE000  }
0x9a: {  	_ =	swait.ge [sflag:s26], $0x1200  }
0x9b: {  	p1 =	seq.s32 s17, $0x0;
	[sflag:s26] =	ssyncset.done $0x0  }
0x9c: {  	s1 =	simm.s32 @!p1 $0x8;
	[sflag:s26] =	ssyncadd.s32 $0xFFFFEE00  }
0x9d: {  	_ =	swait.ge @!p1 [sflag:s1], $0x6400  }
0x9e: {  	[sflag:s1] =	ssyncset.done @!p1 $0x0  }
0x9f: {  	s8 =	sor.u32 $0x400, s24;
	s4 =	rddreg [dreg:$0x2];
	[sflag:s1] =	ssyncadd.s32 @!p1 $0xFFFF9C00  }
0xa0: {  	[tilespmem:s28], [sflag:$0x4] =	stream.indirect.gather [hbm4b:s3+s10], $0x40, s8, s10, $0xb8;
	[tilespmem:$0x1A800] =	vst v63  }
0xa1: {  	s13 =	sor.u32 $0x480, s24;
	s9 =	rddreg [dreg:$0x3]  }
0xa2: {  	[tilespmem:s9], [sflag:$0x4] =	stream.indirect.gather [hbm4b:s3+s12], $0x40, s13, s12, $0xb8;
	[tilespmem:$0x1A800] =	vst v63  }
0xa3: {  	s15 =	sor.u32 $0x500, s24;
	s14 =	rddreg [dreg:$0x4]  }
0xa4: {  	[tilespmem:s14], [sflag:$0x4] =	stream.indirect.gather [hbm4b:s3+s10], $0x40, s15, s10, $0xb8;
	[tilespmem:$0x1A800] =	vst v63  }
0xa5: {  	s25 =	sor.u32 $0x580, s24;
	s18 =	rddreg [dreg:$0x5]  }
0xa6: {  	[tilespmem:s18], [sflag:$0x4] =	stream.indirect.gather [hbm4b:s3+s12], $0x40, s25, s12, $0xb8;
	[tilespmem:$0x1A800] =	vst v63  }
0xa7: {  	s18 =	sadd.s32 s17, s4  }
0xa8: {  	[hbm4b:s18+s29] =	stream.strided.scatter [tilespmem:s11], [sflag:$0x6], $0x6400, s10, s29, $0x38;
	[tilespmem:$0x1A800] =	vst v63  }
0xa9: {  	_ =	swait.ge [sflag:s30], $0x2000  }
0xaa: {  	[sflag:s30] =	ssyncset.done $0x0  }
0xab: {  	[sflag:s30] =	ssyncadd.s32 $0xFFFFE000  }
0xac: {  	_ =	swait.ge [sflag:s30], $0x1200  }
0xad: {  	[sflag:s30] =	ssyncset.done $0x0  }
0xae: {  	[sflag:s30] =	ssyncadd.s32 $0xFFFFEE00  }
0xaf: {  	_ =	swait.ge [sflag:s30], $0x2000  }
0xb0: {  	[sflag:s30] =	ssyncset.done $0x0  }
0xb1: {  	[sflag:s30] =	ssyncadd.s32 $0xFFFFE000  }
0xb2: {  	_ =	swait.ge [sflag:s30], $0x1200  }
0xb3: {  	[sflag:s30] =	ssyncset.done $0x0  }
0xb4: {  	s1 =	simm.s32 @!p1 $0x9;
	[sflag:s30] =	ssyncadd.s32 $0xFFFFEE00  }
0xb5: {  	_ =	swait.ge @!p1 [sflag:s1], $0x6400  }
0xb6: {  	[sflag:s1] =	ssyncset.done @!p1 $0x0  }
0xb7: {  	s8 =	sadd.s32 $0x600, s24;
	[sflag:s1] =	ssyncadd.s32 @!p1 $0xFFFF9C00  }
0xb8: {  	[tilespmem:s31], [sflag:$0x5] =	stream.indirect.gather [hbm4b:s3+s10], $0x40, s8, s10, $0xb8;
	[tilespmem:$0x1A800] =	vst v63  }
0xb9: {  	s13 =	sadd.s32 $0x680, s24;
	s9 =	rddreg [dreg:$0x6]  }
0xba: {  	[tilespmem:s9], [sflag:$0x5] =	stream.indirect.gather [hbm4b:s3+s12], $0x40, s13, s12, $0xb8;
	[tilespmem:$0x1A800] =	vst v63  }
0xbb: {  	s15 =	sadd.s32 $0x700, s24;
	s14 =	rddreg [dreg:$0x7]  }
0xbc: {  	[tilespmem:s14], [sflag:$0x5] =	stream.indirect.gather [hbm4b:s3+s10], $0x40, s15, s10, $0xb8;
	[tilespmem:$0x1A800] =	vst v63  }
0xbd: {  	s25 =	rddreg [dreg:$0x8];
	s8 =	sadd.s32 $0x780, s24  }
0xbe: {  	[tilespmem:s25], [sflag:$0x5] =	stream.indirect.gather [hbm4b:s3+s12], $0x40, s8, s12, $0xb8;
	[tilespmem:$0x1A800] =	vst v63  }
0xbf: {  	s9 =	sadd.s32 $0x1900, s18  }
0xc0: {  	[hbm4b:s9+s29] =	stream.strided.scatter [tilespmem:s19], [sflag:$0x7], $0x6400, s10, s29, $0x38;
	[tilespmem:$0x1A800] =	vst v63  }
0xc1: {  	_ =	swait.ge [sflag:s0], $0x2000  }
0xc2: {  	[sflag:s0] =	ssyncset.done $0x0  }
0xc3: {  	[sflag:s0] =	ssyncadd.s32 $0xFFFFE000  }
0xc4: {  	_ =	swait.ge [sflag:s0], $0x1200  }
0xc5: {  	[sflag:s0] =	ssyncset.done $0x0  }
0xc6: {  	[sflag:s0] =	ssyncadd.s32 $0xFFFFEE00  }
0xc7: {  	_ =	swait.ge [sflag:s0], $0x2000  }
0xc8: {  	[sflag:s0] =	ssyncset.done $0x0  }
0xc9: {  	[sflag:s0] =	ssyncadd.s32 $0xFFFFE000  }
0xca: {  	_ =	swait.ge [sflag:s0], $0x1200  }
0xcb: {  	p1 =	seq.s32 s17, $0x189C00;
	[sflag:s0] =	ssyncset.done $0x0  }
0xcc: {  	s4 =	simm.s32 @!p1 $0x1;
	[sflag:s0] =	ssyncadd.s32 $0xFFFFEE00  }
0xcd: {  	_ =	swait.ge @!p1 [sflag:s4], $0x800  }
0xce: {  	[sflag:s4] =	ssyncset.done @!p1 $0x0  }
0xcf: {  	[sflag:s4] =	ssyncadd.s32 @!p1 $0xFFFFF800;
	s4 =	simm.s32 @!p1 $0x6  }
0xd0: {  	s5 =	smov.u32 s21;
	_ =	swait.ge @!p1 [sflag:s4], $0x6400  }
0xd1: {  	s17 =	smov.u32 s5;
	s5 =	simm.s32 @!p1 $0x1800;
	[sflag:s4] =	ssyncset.done @!p1 $0x0  }
0xd2: {  	s25 =	sshll.u32 @!p1 s22, $0xB;
	[sflag:s4] =	ssyncadd.s32 @!p1 $0xFFFF9C00;
	s4 =	simm.s32 @!p1 $0x80  }
0xd3: {  	[tilespmem:s5], [sflag:$0x2] =	stream.indirect.gather @!p1 [hbm4b:s3+s4], $0x40, s25, s4, $0xb8;
	[tilespmem:$0x1A800] =	vst v63  }
0xd4: {  	s6 =	simm.s32 @!p1 $0x48;
	s9 =	simm.s32 @!p1 $0x3800;
	s5 =	sor.u32 @!p1 $0x80, s25  }
0xd5: {  	[tilespmem:s9], [sflag:$0x2] =	stream.indirect.gather @!p1 [hbm4b:s3+s6], $0x40, s5, s6, $0xb8;
	[tilespmem:$0x1A800] =	vst v63  }
0xd6: {  	s5 =	sor.u32 @!p1 $0x100, s25;
	s9 =	simm.s32 @!p1 $0x4A00  }
0xd7: {  	[tilespmem:s9], [sflag:$0x2] =	stream.indirect.gather @!p1 [hbm4b:s3+s4], $0x40, s5, s4, $0xb8;
	[tilespmem:$0x1A800] =	vst v63  }
0xd8: {  	s5 =	sor.u32 @!p1 $0x180, s25;
	s9 =	simm.s32 @!p1 $0x6A00  }
0xd9: {  	[tilespmem:s9], [sflag:$0x2] =	stream.indirect.gather @!p1 [hbm4b:s3+s6], $0x40, s5, s6, $0xb8;
	[tilespmem:$0x1A800] =	vst v63  }
0xda: {  	s13 =	sadd.s32 $0x3200, s18  }
0xdb: {  	[hbm4b:s13+s29] =	stream.strided.scatter [tilespmem:s28], [sflag:$0x8], $0x6400, s10, s29, $0x38;
	[tilespmem:$0x1A800] =	vst v63  }
0xdc: {  	_ =	swait.ge [sflag:s2], $0x2000  }
0xdd: {  	s20 =	sadd.s32 $0x1, s20;
	[sflag:s2] =	ssyncset.done $0x0  }
0xde: {  	s21 =	sadd.s32 $0x6400, s21;
	s14 =	smul.u32 $0xAB, s20;
	[sflag:s2] =	ssyncadd.s32 $0xFFFFE000  }
0xdf: {  	p0 =	sne.s32 s21, $0x190000;
	_ =	swait.ge [sflag:s2], $0x1200  }
0xe0: {  	s1 =	simm.s32 @!p1 $0x9C00;
	s15 =	sadd.s32 $0xFFFFFEAA, s14;
	[sflag:s2] =	ssyncset.done $0x0  }
0xe1: {  	s22 =	simm.s32 @!p1 $0x7C00;
	s24 =	sshrl.u32 s15, $0x9;
	[sflag:s2] =	ssyncadd.s32 $0xFFFFEE00  }
0xe2: {  	s8 =	sor.u32 @!p1 $0x280, s25;
	s24 =	sand.u32 $0x7F, s24;
	_ =	swait.ge [sflag:s2], $0x2000  }
0xe3: {  	s24 =	smul.u32 $0x3, s24;
	s9 =	simm.s32 @!p1 $0x7;
	[sflag:s2] =	ssyncset.done $0x0  }
0xe4: {  	s5 =	sadd.s32 $0xFFFFFF55, s14;
	s14 =	sadd.s32 $0xFFFFFFFE, s20;
	[sflag:s2] =	ssyncadd.s32 $0xFFFFE000  }
0xe5: {  	s5 =	sshrl.u32 s5, $0x9;
	p2 =	sgt.u32 s14, $0x3D;
	_ =	swait.ge [sflag:s2], $0x1200  }
0xe6: {  	s5 =	sand.u32 $0x7F, s5;
	s15 =	smul.u32 @!p2 $0xAB, s20;
	[sflag:s2] =	ssyncset.done $0x0  }
0xe7: {  	s24 =	ssub.s32 s14, s24;
	s5 =	smul.u32 $0x3, s5;
	[sflag:s2] =	ssyncadd.s32 $0xFFFFEE00  }
.Ltmp0:
0xe8: {  	s13 =	sor.u32 @!p1 $0x200, s25;
	_ =	swait.ge @!p1 [sflag:s9], $0x6400;
	(pc) =	sbr.rel @p0 .LBB2_2-.Ltmp0, $4  }
0xe9: {  	s24 =	sand.u32 $0xFF, s24;
	s5 =	sxor.u32 $0xFFFFFFFF, s5;
	[sflag:s9] =	ssyncset.done @!p1 $0x0  }
0xea: {  	s14 =	sshrl.u32 @!p2 s15, $0x9;
	s5 =	sadd.s32 s20, s5;
	[sflag:s9] =	ssyncadd.s32 @!p1 $0xFFFF9C00  }
0xeb: {  	[tilespmem:s22], [sflag:$0x3] =	stream.indirect.gather @!p1 [hbm4b:s3+s4], $0x40, s13, s4, $0xb8;
	[tilespmem:$0x1A800] =	vst v63  }
0xec: {  	s24 =	sshll.u32 s24, $0xB;
	s9 =	sand.u32 @!p2 $0x7F, s14;
	s22 =	sand.u32 $0xFF, s5  }
0xed: {  	[tilespmem:s1], [sflag:$0x3] =	stream.indirect.gather @!p1 [hbm4b:s3+s6], $0x40, s8, s6, $0xb8;
	[tilespmem:$0x1A800] =	vst v63  }
0xee: {  	s1 =	sor.u32 @!p1 $0x300, s25;
	s5 =	simm.s32 @!p1 $0xAE00  }
0xef: {  	[tilespmem:s5], [sflag:$0x3] =	stream.indirect.gather @!p1 [hbm4b:s3+s4], $0x40, s1, s4, $0xb8;
	[tilespmem:$0x1A800] =	vst v63  }
0xf0: {  	s1 =	smul.u32 @!p2 $0x3, s9;
	s4 =	sor.u32 @!p1 $0x380, s25;
	s5 =	simm.s32 @!p1 $0xCE00  }
0xf1: {  	[tilespmem:s5], [sflag:$0x3] =	stream.indirect.gather @!p1 [hbm4b:s3+s6], $0x40, s4, s6, $0xb8;
	[tilespmem:$0x1A800] =	vst v63  }
0xf2: {  	s1 =	ssub.s32 @!p2 s20, s1  }
0xf3: {  	s6 =	sadd.s32 $0x4B00, s18;
	s1 =	sand.u32 @!p2 $0xFF, s1  }
0xf4: {  	[hbm4b:s6+s29] =	stream.strided.scatter [tilespmem:s31], [sflag:$0x9], $0x6400, s10, s29, $0x38;
	[tilespmem:$0x1A800] =	vst v63  }
0xf5: {  	s4 =	sadd.s32 $0x100, s7;
	s5 =	simm.s32 @!p2 $0x0;
	s1 =	sshll.u32 @!p2 s1, $0xB  }
0xf6: {  	[tilespmem:s1], [sflag:$0x1] =	stream.linear.gather @!p2 [hbm4b:s4+s5], $0x800, $0x38;
	[tilespmem:$0x1A800] =	vst v63  }
0xf7: {  	_ =	swait.ge [sflag:s26], $0x2000  }
0xf8: {  	[sflag:s26] =	ssyncset.done $0x0  }
0xf9: {  	[sflag:s26] =	ssyncadd.s32 $0xFFFFE000  }
0xfa: {  	_ =	swait.ge [sflag:s26], $0x1200  }
0xfb: {  	[sflag:s26] =	ssyncset.done $0x0  }
0xfc: {  	[sflag:s26] =	ssyncadd.s32 $0xFFFFEE00  }
0xfd: {  	_ =	swait.ge [sflag:s26], $0x2000  }
0xfe: {  	[sflag:s26] =	ssyncset.done $0x0  }
0xff: {  	[sflag:s26] =	ssyncadd.s32 $0xFFFFE000  }
0x100: {  	_ =	swait.ge [sflag:s26], $0x1200  }
0x101: {  	p0 =	seq.s32 s17, $0x0;
	[sflag:s26] =	ssyncset.done $0x0  }
0x102: {  	s1 =	simm.s32 @!p0 $0x8;
	[sflag:s26] =	ssyncadd.s32 $0xFFFFEE00  }
0x103: {  	_ =	swait.ge @!p0 [sflag:s1], $0x6400  }
0x104: {  	[sflag:s1] =	ssyncset.done @!p0 $0x0  }
0x105: {  	s9 =	sor.u32 $0x400, s24;
	s8 =	rddreg [dreg:$0x2];
	[sflag:s1] =	ssyncadd.s32 @!p0 $0xFFFF9C00  }
0x106: {  	[tilespmem:s28], [sflag:$0x4] =	stream.indirect.gather [hbm4b:s3+s10], $0x40, s9, s10, $0xb8;
	[tilespmem:$0x1A800] =	vst v63  }
0x107: {  	s14 =	sor.u32 $0x480, s24;
	s13 =	rddreg [dreg:$0x3]  }
0x108: {  	[tilespmem:s13], [sflag:$0x4] =	stream.indirect.gather [hbm4b:s3+s12], $0x40, s14, s12, $0xb8;
	[tilespmem:$0x1A800] =	vst v63  }
0x109: {  	s18 =	sor.u32 $0x500, s24;
	s15 =	rddreg [dreg:$0x4]  }
0x10a: {  	[tilespmem:s15], [sflag:$0x4] =	stream.indirect.gather [hbm4b:s3+s10], $0x40, s18, s10, $0xb8;
	[tilespmem:$0x1A800] =	vst v63  }
0x10b: {  	s21 =	sor.u32 $0x580, s24;
	s20 =	rddreg [dreg:$0x5]  }
0x10c: {  	[tilespmem:s20], [sflag:$0x4] =	stream.indirect.gather [hbm4b:s3+s12], $0x40, s21, s12, $0xb8;
	[tilespmem:$0x1A800] =	vst v63  }
0x10d: {  	s25 =	sadd.s32 s17, s8  }
0x10e: {  	[hbm4b:s25+s29] =	stream.strided.scatter [tilespmem:s11], [sflag:$0x6], $0x6400, s10, s29, $0x38;
	[tilespmem:$0x1A800] =	vst v63  }
0x10f: {  	_ =	swait.ge [sflag:s30], $0x2000  }
0x110: {  	[sflag:s30] =	ssyncset.done $0x0  }
0x111: {  	[sflag:s30] =	ssyncadd.s32 $0xFFFFE000  }
0x112: {  	_ =	swait.ge [sflag:s30], $0x1200  }
0x113: {  	[sflag:s30] =	ssyncset.done $0x0  }
0x114: {  	[sflag:s30] =	ssyncadd.s32 $0xFFFFEE00  }
0x115: {  	_ =	swait.ge [sflag:s30], $0x2000  }
0x116: {  	[sflag:s30] =	ssyncset.done $0x0  }
0x117: {  	[sflag:s30] =	ssyncadd.s32 $0xFFFFE000  }
0x118: {  	_ =	swait.ge [sflag:s30], $0x1200  }
0x119: {  	[sflag:s30] =	ssyncset.done $0x0  }
0x11a: {  	s4 =	simm.s32 @!p0 $0x9;
	[sflag:s30] =	ssyncadd.s32 $0xFFFFEE00  }
0x11b: {  	_ =	swait.ge @!p0 [sflag:s4], $0x6400  }
0x11c: {  	[sflag:s4] =	ssyncset.done @!p0 $0x0  }
0x11d: {  	s5 =	sadd.s32 $0x600, s24;
	[sflag:s4] =	ssyncadd.s32 @!p0 $0xFFFF9C00  }
0x11e: {  	[tilespmem:s31], [sflag:$0x5] =	stream.indirect.gather [hbm4b:s3+s10], $0x40, s5, s10, $0xb8;
	[tilespmem:$0x1A800] =	vst v63  }
0x11f: {  	s7 =	sadd.s32 $0x680, s24;
	s6 =	rddreg [dreg:$0x6]  }
0x120: {  	[tilespmem:s6], [sflag:$0x5] =	stream.indirect.gather [hbm4b:s3+s12], $0x40, s7, s12, $0xb8;
	[tilespmem:$0x1A800] =	vst v63  }
0x121: {  	s9 =	sadd.s32 $0x700, s24;
	s8 =	rddreg [dreg:$0x7]  }
0x122: {  	[tilespmem:s8], [sflag:$0x5] =	stream.indirect.gather [hbm4b:s3+s10], $0x40, s9, s10, $0xb8;
	[tilespmem:$0x1A800] =	vst v63  }
0x123: {  	s14 =	sadd.s32 $0x780, s24;
	s13 =	rddreg [dreg:$0x8]  }
0x124: {  	[tilespmem:s13], [sflag:$0x5] =	stream.indirect.gather [hbm4b:s3+s12], $0x40, s14, s12, $0xb8;
	[tilespmem:$0x1A800] =	vst v63  }
0x125: {  	s15 =	sadd.s32 $0x1900, s25  }
0x126: {  	[hbm4b:s15+s29] =	stream.strided.scatter [tilespmem:s19], [sflag:$0x7], $0x6400, s10, s29, $0x38;
	[tilespmem:$0x1A800] =	vst v63  }
0x127: {  	_ =	swait.ge [sflag:s0], $0x2000  }
0x128: {  	[sflag:s0] =	ssyncset.done $0x0  }
0x129: {  	[sflag:s0] =	ssyncadd.s32 $0xFFFFE000  }
0x12a: {  	_ =	swait.ge [sflag:s0], $0x1200  }
0x12b: {  	[sflag:s0] =	ssyncset.done $0x0  }
0x12c: {  	[sflag:s0] =	ssyncadd.s32 $0xFFFFEE00  }
0x12d: {  	_ =	swait.ge [sflag:s0], $0x2000  }
0x12e: {  	[sflag:s0] =	ssyncset.done $0x0  }
0x12f: {  	[sflag:s0] =	ssyncadd.s32 $0xFFFFE000  }
0x130: {  	_ =	swait.ge [sflag:s0], $0x1200  }
0x131: {  	p0 =	seq.s32 s17, $0x189C00;
	[sflag:s0] =	ssyncset.done $0x0  }
0x132: {  	s4 =	simm.s32 @!p0 $0x1;
	[sflag:s0] =	ssyncadd.s32 $0xFFFFEE00  }
0x133: {  	_ =	swait.ge @!p0 [sflag:s4], $0x800  }
0x134: {  	[sflag:s4] =	ssyncset.done @!p0 $0x0  }
0x135: {  	[sflag:s4] =	ssyncadd.s32 @!p0 $0xFFFFF800;
	s4 =	simm.s32 @!p0 $0x6  }
0x136: {  	_ =	swait.ge @!p0 [sflag:s4], $0x6400  }
0x137: {  	s5 =	simm.s32 @!p0 $0x1800;
	[sflag:s4] =	ssyncset.done @!p0 $0x0  }
0x138: {  	s6 =	simm.s32 @!p0 $0x80;
	[sflag:s4] =	ssyncadd.s32 @!p0 $0xFFFF9C00;
	s4 =	sshll.u32 @!p0 s22, $0xB  }
0x139: {  	[tilespmem:s5], [sflag:$0x2] =	stream.indirect.gather @!p0 [hbm4b:s3+s6], $0x40, s4, s6, $0xb8;
	[tilespmem:$0x1A800] =	vst v63  }
0x13a: {  	s8 =	simm.s32 @!p0 $0x48;
	s5 =	simm.s32 @!p0 $0x3800;
	s7 =	sor.u32 @!p0 $0x80, s4  }
0x13b: {  	[tilespmem:s5], [sflag:$0x2] =	stream.indirect.gather @!p0 [hbm4b:s3+s8], $0x40, s7, s8, $0xb8;
	[tilespmem:$0x1A800] =	vst v63  }
0x13c: {  	s5 =	sor.u32 @!p0 $0x100, s4;
	s7 =	simm.s32 @!p0 $0x4A00  }
0x13d: {  	[tilespmem:s7], [sflag:$0x2] =	stream.indirect.gather @!p0 [hbm4b:s3+s6], $0x40, s5, s6, $0xb8;
	[tilespmem:$0x1A800] =	vst v63  }
0x13e: {  	s5 =	sor.u32 @!p0 $0x180, s4;
	s7 =	simm.s32 @!p0 $0x6A00  }
0x13f: {  	[tilespmem:s7], [sflag:$0x2] =	stream.indirect.gather @!p0 [hbm4b:s3+s8], $0x40, s5, s8, $0xb8;
	[tilespmem:$0x1A800] =	vst v63  }
0x140: {  	s18 =	sadd.s32 $0x3200, s25  }
0x141: {  	[hbm4b:s18+s29] =	stream.strided.scatter [tilespmem:s28], [sflag:$0x8], $0x6400, s10, s29, $0x38;
	[tilespmem:$0x1A800] =	vst v63  }
0x142: {  	_ =	swait.ge [sflag:s2], $0x2000  }
0x143: {  	[sflag:s2] =	ssyncset.done $0x0  }
0x144: {  	[sflag:s2] =	ssyncadd.s32 $0xFFFFE000  }
0x145: {  	_ =	swait.ge [sflag:s2], $0x1200  }
0x146: {  	[sflag:s2] =	ssyncset.done $0x0  }
0x147: {  	[sflag:s2] =	ssyncadd.s32 $0xFFFFEE00  }
0x148: {  	_ =	swait.ge [sflag:s2], $0x2000  }
0x149: {  	[sflag:s2] =	ssyncset.done $0x0  }
0x14a: {  	[sflag:s2] =	ssyncadd.s32 $0xFFFFE000  }
0x14b: {  	_ =	swait.ge [sflag:s2], $0x1200  }
0x14c: {  	[sflag:s2] =	ssyncset.done $0x0  }
0x14d: {  	s5 =	simm.s32 @!p0 $0x7;
	[sflag:s2] =	ssyncadd.s32 $0xFFFFEE00  }
0x14e: {  	_ =	swait.ge @!p0 [sflag:s5], $0x6400  }
0x14f: {  	[sflag:s5] =	ssyncset.done @!p0 $0x0  }
0x150: {  	s7 =	simm.s32 @!p0 $0x7C00;
	[sflag:s5] =	ssyncadd.s32 @!p0 $0xFFFF9C00;
	s5 =	sor.u32 @!p0 $0x200, s4  }
0x151: {  	[tilespmem:s7], [sflag:$0x3] =	stream.indirect.gather @!p0 [hbm4b:s3+s6], $0x40, s5, s6, $0xb8;
	[tilespmem:$0x1A800] =	vst v63  }
0x152: {  	s5 =	simm.s32 @!p0 $0x9C00;
	s7 =	sor.u32 @!p0 $0x280, s4  }
0x153: {  	[tilespmem:s5], [sflag:$0x3] =	stream.indirect.gather @!p0 [hbm4b:s3+s8], $0x40, s7, s8, $0xb8;
	[tilespmem:$0x1A800] =	vst v63  }
0x154: {  	s5 =	sor.u32 @!p0 $0x300, s4;
	s7 =	simm.s32 @!p0 $0xAE00  }
0x155: {  	[tilespmem:s7], [sflag:$0x3] =	stream.indirect.gather @!p0 [hbm4b:s3+s6], $0x40, s5, s6, $0xb8;
	[tilespmem:$0x1A800] =	vst v63  }
0x156: {  	s4 =	sor.u32 @!p0 $0x380, s4;
	s5 =	simm.s32 @!p0 $0xCE00  }
0x157: {  	[tilespmem:s5], [sflag:$0x3] =	stream.indirect.gather @!p0 [hbm4b:s3+s8], $0x40, s4, s8, $0xb8;
	[tilespmem:$0x1A800] =	vst v63  }
0x158: {  	s1 =	sadd.s32 $0x4B00, s25;
	s20 =	simm.s32 $0x6  }
0x159: {  	[hbm4b:s1+s29] =	stream.strided.scatter [tilespmem:s31], [sflag:$0x9], $0x6400, s10, s29, $0x38;
	[tilespmem:$0x1A800] =	vst v63  }
0x15a: {  	_ =	swait.ge [sflag:s20], $0x6400  }
0x15b: {  	[sflag:s20] =	ssyncset.done $0x0  }
0x15c: {  	s21 =	simm.s32 $0x7;
	[sflag:s20] =	ssyncadd.s32 $0xFFFF9C00  }
0x15d: {  	_ =	swait.ge [sflag:s21], $0x6400  }
0x15e: {  	[sflag:s21] =	ssyncset.done $0x0  }
0x15f: {  	s22 =	simm.s32 $0x8;
	[sflag:s21] =	ssyncadd.s32 $0xFFFF9C00  }
0x160: {  	_ =	swait.ge [sflag:s22], $0x6400  }
0x161: {  	[sflag:s22] =	ssyncset.done $0x0  }
0x162: {  	s24 =	simm.s32 $0x9;
	[sflag:s22] =	ssyncadd.s32 $0xFFFF9C00  }
0x163: {  	_ =	swait.ge [sflag:s24], $0x6400  }
0x164: {  	s16 =	sadd.s32 $0x1, s16;
	s25 =	rddreg [dreg:$0xb]  }
0x165: {  	p0 =	sne.s32 s16, s25  }
.Ltmp1:
0x166: {  	_ = 	snop;
	(pc) =	sbr.rel @p0 .LBB2_1-.Ltmp1, $3  }
0x167: {  	_ =	sdelay $0x1  }
0x168: {  	[sflag:s24] =	ssyncset.done $0x0  }
0x169: {  	[sflag:s24] =	ssyncadd.s32 $0xFFFF9C00  }
0x16a: {  	_ =	sfence.sel $0x180000  }
0x16b: {  	[bflag:$0x0] =	sbarrier.arrive $0xFFFF  }
0x16c: {  	_ =	strace $0x90000047  }
0x16d: {  	s0 =	stileid.u32;
	[bflag:$0x2] =	sbarrier.arrive $0xFFFF  }
0x16e: {  	p0 =	sne.s32 s0, $0x0;
	s0 =	rddreg [dreg:$0x1]  }
0x16f: {  	s0 =	sadd.s32 @!p0 $0x100000, s0  }
0x170: {  	[sflag:s0] =	ssyncadd.tile.s32 @!p0 $0x1;
	_ =	shalt  }
.Lfunc_end2:
_tile_overlayer_lowered:
.L_overlay_start_2:
0x171: {  	(tag) =	ssettag $0x2  }
0x172: {  	s0 =	rddreg [dreg:$0x0];
	s2 =	stileid.u32  }
0x173: {  	s1 =	rddreg [dreg:$0x1];
	p0 =	sne.s32 s2, $0x0  }
0x174: {  	s3 =	rddreg [dreg:$0x2];
	[bflag:$0x3] =	sbarrier.arrive $0xFFFF;
	s2 =	simm.s32 @!p0 $0x1C0A  }
0x175: {  	[timem:s3], [sflag:s2] =	dma.local @!p0 [hbm:s0], s1  }
0x176: {  	s0 =	simm.s32 @!p0 $0xA  }
0x177: {  	_ =	swait.ge @!p0 [sflag:s0], s1  }
0x178: {  	s1 =	ssub.s32 @!p0 $0x0, s1;
	[sflag:s0] =	ssyncset.done @!p0 $0x0  }
0x179: {  	[sflag:s0] =	ssyncadd.s32 @!p0 s1  }
0x17a: {  	[bflag:$0x3] =	sbarrier.arrive $0xFFFF  }
0x17b: {  	_ =	shalt  }

// kernel: sparse-core-data-format-call.cloned.1.call-start
scs
called_computation_lowered:
.L_overlay_start_0:
0x0: {  	s2 =	sld [smem:$0x3FD9]  }
0x1: {  	s3 =	sld [smem:$0x3FFE];
	_ =	sdelay $0x1  }
0x2: {  	s1 =	srdreg.scid  }
0x3: {  	s0 =	sand.u32 $0x1, s1  }
0x4: {  	s18 =	sshll.u32 s0, $0xA;
	s2 =	sadd.s32 s3, s2  }
0x5: {  	s2 =	sadd.s32 s2, s18  }
0x6: {  	[smem:$0x3FC6] =	sst s2  }
0x7: {  	_ = 	snop  }
0x8: {  	s2 =	sld [smem:$0x3FD0];
	(tm) =	ssettm $0x1  }
0x9: {  	s19 =	sld [smem:$0x3FFB];
	_ =	sdelay $0x3  }
0xa: {  	_ =	strace s19  }
0xb: {  	s3 =	sld [smem:$0x3FFC];
	_ =	sdelay $0x3  }
0xc: {  	_ =	strace s3  }
0xd: {  	s3 =	sld [smem:$0x3FFD];
	_ =	sdelay $0x3  }
0xe: {  	_ =	strace s3  }
0xf: {  	_ =	strace $0x8FFFFFFF  }
0x10: {  	s20 =	sld [smem:$0x3FDB];
	_ =	sdelay $0x1  }
0x11: {  	s4 =	simm.s32 $_scs_section_size  }
0x12: {  	s5 =	simm.s32 $_size__tile_overlayer_lowered;
	s6 =	simm.s32 $_tile_overlayer_lowered  }
0x13: {  	s23 =	simm.s32 $0x1BFF;
	s22 =	sshll.u32 s6, $0x1;
	s3 =	sadd.s32 s4, s20  }
0x14: {  	s7 =	simm.s32 $0x0;
	s21 =	sshll.u32 s5, $0x1;
	s5 =	sadd.s32 s22, s3  }
0x15: {  	[timem:s7], [sflag:s23] =	dma.local [hbm:s5], s21  }
0x16: {  	_ =	swait.ge [sflag:s23], s21  }
0x17: {  	s4 =	ssub.s32 $0x0, s21;
	[sflag:s23] =	ssyncset.done $0x0  }
0x18: {  	[sflag:s23] =	ssyncadd.s32 s4;
	_ =	sdelay $0x1  }
0x19: {  	s24 =	simm.s32 $0x1B8B  }
0x1a: {  	_ =	swait.ge [sflag:s24], $0x1  }
0x1b: {  	[sflag:s24] =	ssyncset.done $0x0  }
0x1c: {  	s26 =	simm.s32 $0x1B8E;
	s25 =	sld [smem:$0x3FFE];
	[sflag:s24] =	ssyncadd.s32 $0xFFFFFFFF  }
0x1d: {  	s27 =	simm.s32 $execute0_lowered;
	[smem:$0x3FD2] =	sst s26  }
0x1e: {  	s5 =	sshll.u32 s27, $0x1;
	_ =	strace $0x80000049;
	[dreg:$0x1] =	wrdreg $0xFFFFFFFF  }
0x1f: {  	s28 =	simm.s32 $_size_execute0_lowered;
	s3 =	sadd.s32 s3, s5;
	[dreg:$0x0] =	wrdreg $0x0  }
0x20: {  	s5 =	sshll.u32 s28, $0x1;
	[dreg:$0x2] =	wrdreg s3  }
0x21: {  	[dreg:$0x3] =	wrdreg s5  }
0x22: {  	[dreg:$0x4] =	wrdreg $0xC0  }
0x23: {  	_ =	task [dreg:s7], $0x5FFFF  }
0x24: {  	[dreg:$0x1] =	wrdreg $0xFFFFFFFF  }
0x25: {  	[dreg:$0x0] =	wrdreg $0x60  }
0x26: {  	[dreg:$0x2] =	wrdreg s25  }
0x27: {  	[dreg:$0x3] =	wrdreg s2  }
0x28: {  	[dreg:$0x4] =	wrdreg $0x9  }
0x29: {  	_ =	task.clear_ibuf [dreg:s7], $0x5FFFF;
	_ =	strace $0x90000049  }
0x2a: {  	s29 =	simm.s32 $0x9;
	_ =	strace $0x8000004B  }
0x2b: {  	_ =	swait.ge [sflag:s29], $0x1  }
0x2c: {  	[sflag:s29] =	ssyncadd.s32 $0xFFFFFFFF  }
0x2d: {  	_ =	strace $0x9000004B  }
0x2e: {  	_ =	sfence  }
0x2f: {  	s30 =	sld [smem:$0x0];
	_ =	sdelay $0x2  }
0x30: {  	s31 =	sshll.u32 s1, $0xD;
	s1 =	sshrl.u32 s1, $0x2  }
0x31: {  	s3 =	sand.u32 $0x4000, s31;
	s1 =	sadd.s32 s1, s30  }
0x32: {  	s0 =	sor.u32 s3, s0;
	s1 =	sshll.u32 s1, $0x11  }
0x33: {  	s0 =	sor.u32 s1, s0  }
0x34: {  	s0 =	sadd.s32 $0x8F2B, s0  }
0x35: {  	[sflag:s0] =	ssyncadd.remote.s32 $0x1  }
0x36: {  	_ =	sfence.sel $0xFFFF  }
0x37: {  	[dreg:$0x0] =	wrdreg $0xFFFFFFFF;
	(pc) =	sbr.abs _section_cstart, $3  }
0x38: {  	[dreg:$0x1] =	wrdreg $0xFFFFFFFF  }
0x39: {  	_ =	task.clear_ibuf [dreg:s7], $0x2FFFF;
	_ =	strace $0x9FFFFFFF  }
0x3a: {  	(tm) =	ssettm $0x7FFFFFFF  }
0x3b: {  	_ =	shalt  }
tec
execute0_lowered:
.L_overlay_start_1:
0x0: {  	(tag) =	ssettag $0x1  }
0x1: {  	s0 =	srdreg.scid  }
0x2: {  	s1 =	sshll.u32 s0, $0x4  }
0x3: {  	s0 =	stileid.u32;
	s1 =	sand.u32 $0x10, s1  }
0x4: {  	s1 =	sor.u32 s0, s1  }
0x5: {  	s6 =	rddreg [dreg:$0x0];
	s4 =	simm.s32 $0x1;
	s2 =	sshll.u32 s1, $0x7  }
0x6: {  	s7 =	simm.s32 $0x2;
	s12 =	simm.s32 $0x0;
	s1 =	ssub.s32 $0x4000, s2  }
0x7: {  	s8 =	simm.s32 $0x20000;
	s13 =	simm.s32 $0x0;
	s3 =	sand.u32 $0xF80, s1  }
0x8: {  	s9 =	simm.s32 $0x0;
	s5 =	sshrl.u32 s1, $0xC;
	p0 =	sne.s32 s3, $0x0  }
.Ltmp0:
0x9: {  	s1 =	rddreg [dreg:$0x2];
	s4 =	simm.s32 @!p0 $0x0;
	(pc) =	sbr.rel .LBB1_1-.Ltmp0, $4  }
0xa: {  	s11 =	simm.s32 $0x0;
	s3 =	rddreg [dreg:$0x1];
	s5 =	sadd.s32 s4, s5  }
0xb: {  	_ =	strace $0x8000004A;
	s4 =	simm.s32 $0x1;
	s5 =	smul.u32 $0xC8, s5  }
0xc: {  	s6 =	sadd.s32 $0x821A00, s6;
	s10 =	smov.u32 s2;
	[sflag:s4] =	ssyncpa.u1 $0x0  }
0xd: {  	p0 =	por $0x0, $0x0;
	[sflag:s7] =	ssyncpa.u1 $0x0;
	s7 =	sor.u32 $0x1, s5  }
.LBB1_4:
0xe: {  	s16 =	sshll.u32 s13, $0x3;
	s17 =	sand.u32 $0x78, s13  }
0xf: {  	s30 =	sand.u32 $0x1F800, s13;
	s12 =	sshll.u32 s12, $0x11;
	s16 =	sand.u32 $0x3C00, s16  }
0x10: {  	[tilespmem:s15+$0x810 ss:$0x81] =	vst.msk $0xffff, v2;
	s31 =	sand.u32 $0x7, s13;
	s16 =	sor.u32 s17, s16;
	s17 =	sadd.s32 s3, s30  }
0x11: {  	[tilespmem:s15+$0x1020 ss:$0x81] =	vst.msk $0xffff, v0;
	s13 =	sshll.u32 s31, $0x12;
	s12 =	sadd.s32 s12, s17;
	s16 =	sshrl.u32 s16, $0x3  }
0x12: {  	[tilespmem:s15+$0x0 ss:$0x81] =	vst.msk $0xffff, v1;
	s13 =	sor.u32 $0x400, s13;
	s12 =	sadd.s32 s16, s12  }
0x13: {  	[hbm4b:s12+s13] =	stream.strided.scatter [tilespmem:s14], [sflag:$0x2], $0x2000, s8, s13, $0x20;
	[tilespmem:$0x8080] =	vst v63  }
.LBB1_5:
0x14: {  	s14 =	sadd.s32 $0x1, s9  }
0x15: {  	s12 =	sadd.s32 $0x1000, s10;
	s16 =	smov.u32 s10;
	p2 =	sgt.s32 s14, $0xC7  }
0x16: {  	s16 =	smov.u32 @p2 s12  }
0x17: {  	s14 =	simm.s32 @p2 $0x0;
	p2 =	sgt.s32 s16, $0x3FFF  }
0x18: {  	s16 =	smov.u32 @p2 s2;
	p2 =	sne.s32 s11, s7  }
.Ltmp1:
0x19: {  	p1 =	slt.u32 s11, $0x2;
	(pc) =	sbr.rel @!p2 .LBB1_6-.Ltmp1, $4  }
0x1a: {  	s15 =	simm.s32 @!p1 $0x2  }
0x1b: {  	s13 =	smov.u32 s10;
	p0 =	por !p0, !p0;
	_ =	swait.ge @!p1 [sflag:s15], $0x2000  }
0x1c: {  	s12 =	smov.u32 s9;
	[sflag:s15] =	ssyncset.done @!p1 $0x0;
	s9 =	smov.u32 s14  }
0x1d: {  	s11 =	sadd.s32 $0x1, s11;
	[sflag:s15] =	ssyncadd.s32 @!p1 $0xFFFFE000;
	s10 =	smov.u32 s16  }
.LBB1_1:
0x1e: {  	p1 =	sge.u32 s11, s5  }
0x1f: {  	s14 =	sand.u32 @!p1 $0x1FFFFFF, s9  }
0x20: {  	s15 =	smulhi.u32 @!p1 $0x147AE15, s14;
	_ =	sdelay $0x1  }
0x21: {  	s15 =	smul.u32 @!p1 $0xC8, s15  }
0x22: {  	s16 =	sxor.u32 @!p1 $0xFFFFFFFF, s11;
	s17 =	smul.u32 @!p1 $0xC80, s10  }
0x23: {  	s31 =	sadd.s32 $0xFFFFFFFF, s11;
	s16 =	sshll.u32 @!p1 s16, $0xD;
	s14 =	ssub.s32 @!p1 s14, s15  }
0x24: {  	s15 =	sand.u32 @!p1 $0x2000, s16;
	s16 =	sadd.s32 @!p1 s6, s17;
	s14 =	sshll.u32 @!p1 s14, $0x4  }
0x25: {  	s17 =	simm.s32 @!p1 $0x6400;
	s14 =	sadd.s32 @!p1 s14, s16;
	s16 =	simm.s32 @!p1 $0x40  }
0x26: {  	[tilespmem:s15], [sflag:$0x1] =	stream.strided.gather @!p1 [hbm4b:s14+s16], $0x2000, s17, s16, $0x38;
	[tilespmem:$0x8080] =	vst v63  }
0x27: {  	p1 =	sge.u32 s31, s5  }
.Ltmp2:
0x28: {  	_ = 	snop;
	(pc) =	sbr.rel @p1 .LBB1_5-.Ltmp2, $1  }
0x29: {  	_ =	sdelay $0x3  }
0x2a: {  	s14 =	simm.s32 $0x1  }
0x2b: {  	_ =	swait.ge [sflag:s4], $0x2000;
	s14 =	simm.s32 @!p0 $0x0  }
0x2c: {  	[sflag:s4] =	ssyncset.done $0x0;
	s15 =	sshll.u32 s14, $0xD  }
0x2d: {  	[sflag:s4] =	ssyncadd.s32 $0xFFFFE000;
	s18 =	sor.u32 $0x20, s15  }
0x2e: {  	s14 =	smul.u32 $0x8100, s14;
	v3 =	vld [tilespmem:s18+$0x10]  }
0x2f: {  	s30 =	sand.u32 $0x1, s11;
	v2 =	vld [tilespmem:s18+$0xFFFFFFF0]  }
0x30: {  	s15 =	smul.u32 $0x8100, s30;
	s14 =	sshrl.u32 s14, $0x2;
	v0 =	vld [tilespmem:s18+$0x0]  }
0x31: {  	v1 =	vld [tilespmem:s18+$0xFFFFFFE0];
	s16 =	sor.u32 $0x4000, s14  }
0x32: {  	s31 =	sshrl.u32 s15, $0x2;
	s15 =	sadd.s32 $0x0, s16  }
0x33: {  	s17 =	simm.s32 $0x4;
	s18 =	sadd.s32 $0x40, s18;
	s14 =	sor.u32 $0x4000, s31;
	[tilespmem:s15+$0x1830 ss:$0x81] =	vst.msk $0xffff, v3  }
.LBB1_3:
0x34: {  	v3 =	vld [tilespmem:s18+$0x10];
	p1 =	sne.s32 s17, $0x1FC;
	[tilespmem:s15+$0x810 ss:$0x81] =	vst.msk $0xffff, v2;
	s19 =	smov.u32 s17;
	s17 =	sadd.s32 $0x4, s17  }
.Ltmp3:
0x35: {  	v2 =	vld [tilespmem:s18+$0xFFFFFFF0];
	[tilespmem:s15+$0x1020 ss:$0x81] =	vst.msk $0xffff, v0;
	(pc) =	sbr.rel @p1 .LBB1_3-.Ltmp3, $4  }
0x36: {  	v0 =	vld [tilespmem:s18+$0x0];
	[tilespmem:s15+$0x0 ss:$0x81] =	vst.msk $0xffff, v1  }
0x37: {  	s15 =	sshra.s32 s19, $0x2;
	v1 =	vld [tilespmem:s18+$0xFFFFFFE0]  }
0x38: {  	s15 =	sadd.s32 s15, s16  }
0x39: {  	s18 =	sadd.s32 $0x40, s18;
	[tilespmem:s15+$0x1830 ss:$0x81] =	vst.msk $0xffff, v3  }
.Ltmp4:
0x3a: {  	_ = 	snop;
	(pc) =	sbr.rel .LBB1_4-.Ltmp4, $1  }
0x3b: {  	_ =	sdelay $0x3  }
.LBB1_6:
0x3c: {  	_ =	sfence.sel $0x180000  }
0x3d: {  	s2 =	simm.s32 $0x1;
	[bflag:$0x0] =	sbarrier.arrive $0xFFFF  }
0x3e: {  	s31 =	simm.s32 $0x2;
	[sflag:s2] =	ssyncpa.u1 $0x1  }
0x3f: {  	[sflag:s31] =	ssyncpa.u1 $0x1  }
0x40: {  	p0 =	sne.s32 s0, $0x0;
	_ =	strace $0x9000004A  }
0x41: {  	s0 =	sadd.s32 @!p0 $0x100000, s1;
	[bflag:$0x2] =	sbarrier.arrive $0xFFFF  }
0x42: {  	[sflag:s0] =	ssyncadd.tile.s32 @!p0 $0x1;
	_ =	shalt  }
.Lfunc_end1:
_tile_overlayer_lowered:
.L_overlay_start_2:
0x43: {  	(tag) =	ssettag $0x2  }
0x44: {  	s0 =	rddreg [dreg:$0x0];
	s2 =	stileid.u32  }
0x45: {  	s1 =	rddreg [dreg:$0x1];
	p0 =	sne.s32 s2, $0x0  }
0x46: {  	s3 =	rddreg [dreg:$0x2];
	[bflag:$0x3] =	sbarrier.arrive $0xFFFF;
	s2 =	simm.s32 @!p0 $0x1C01  }
0x47: {  	[timem:s3], [sflag:s2] =	dma.local @!p0 [hbm:s0], s1  }
0x48: {  	s0 =	simm.s32 @!p0 $0x1  }
0x49: {  	_ =	swait.ge @!p0 [sflag:s0], s1  }
0x4a: {  	s1 =	ssub.s32 @!p0 $0x0, s1;
	[sflag:s0] =	ssyncset.done @!p0 $0x0  }
0x4b: {  	[sflag:s0] =	ssyncadd.s32 @!p0 s1  }
0x4c: {  	[bflag:$0x3] =	sbarrier.arrive $0xFFFF  }
0x4d: {  	_ =	shalt  }

</sc_bundles>
